<compile_context>
chip_gen: v7x
topology: tpu7x:2x2x1
jax: 0.10.2.dev20260603
libtpu: 0.0.44.dev20260713+nightly
codegen_flags: <defaults>
</compile_context>

<pallas_src>
import functools

import jax
import jax.numpy as jnp
from jax import lax
from jax.experimental import pallas as pl
from jax.experimental.pallas import tpu as pltpu
from jax.experimental.pallas import tpu_sc as plsc

CUTOFF = 5.0
_CUT2_EDGE = 24.999998092651367
NC, NS, L = 2, 16, 16
NW = NC * NS

_COS_C = (
    0.999998250310558,
    -4.934728306205929,
    4.057967848533368,
    -1.3322538414683185,
    0.22958862108713401,
    -0.020574270313145616,
)
_SW_C = tuple(0.5 * c for c in _COS_C)
_SW_C = (_SW_C[0] + 0.5,) + _SW_C[1:]


def _make_kernel(n_nodes: int, n_edges: int, chunk: int):
    assert n_edges % (NW * chunk) == 0
    e_per_w = n_edges // NW
    n_chunks = e_per_w // chunk
    assert n_chunks % 2 == 0 and chunk % L == 0
    mesh = plsc.VectorSubcoreMesh(core_axis_name="c", subcore_axis_name="s")
    inv_cut2 = 1.0 / (CUTOFF * CUTOFF)

    @functools.partial(
        pl.kernel,
        mesh=mesh,
        out_type=[
            jax.ShapeDtypeStruct((n_edges,), jnp.float32),
            jax.ShapeDtypeStruct((n_edges,), jnp.float32),
            jax.ShapeDtypeStruct((n_edges,), jnp.float32),
            jax.ShapeDtypeStruct((n_edges,), jnp.float32),
            jax.ShapeDtypeStruct((n_edges,), jnp.float32),
            jax.ShapeDtypeStruct((n_edges,), jnp.int32),
        ],
        scratch_types=[
            pltpu.VMEM((n_nodes,), jnp.float32),
            pltpu.VMEM((chunk,), jnp.int32),
            pltpu.VMEM((chunk,), jnp.int32),
            pltpu.VMEM((chunk,), jnp.int32),
            pltpu.VMEM((chunk,), jnp.int32),
            pltpu.VMEM((chunk,), jnp.float32),
            pltpu.VMEM((chunk,), jnp.float32),
            pltpu.VMEM((chunk,), jnp.float32),
            pltpu.VMEM((chunk,), jnp.float32),
            pltpu.VMEM((chunk,), jnp.float32),
            pltpu.VMEM((chunk,), jnp.float32),
            pltpu.VMEM((chunk,), jnp.int32),
            pltpu.VMEM((chunk,), jnp.float32),
            pltpu.SemaphoreType.DMA,
            pltpu.SemaphoreType.DMA,
            pltpu.SemaphoreType.DMA,
            pltpu.SemaphoreType.DMA,
            pltpu.SemaphoreType.DMA,
        ],
        compiler_params=pltpu.CompilerParams(needs_layout_passes=False),
    )
    def k(xs_hbm, ys_hbm, zs_hbm, src_hbm, dst_hbm,
          vx_hbm, vy_hbm, vz_hbm, dist_hbm, sw_hbm, mask_hbm,
          tbl, sidx_a, didx_a, sidx_b, didx_b,
          vxi_a, vyi_a, vxi_b, vyi_b,
          o_main, o_sw, o_mask, o_vz,
          sem_ia, sem_ib, sem_va, sem_vb, sem_o):
        wid = lax.axis_index("s") * NC + lax.axis_index("c")
        base0 = wid * e_per_w
        comp_hbms = (xs_hbm, ys_hbm, zs_hbm)

        def start_idx(j, iset, sem):
            base = base0 + j * chunk
            pltpu.async_copy(src_hbm.at[pl.ds(base, chunk)], iset[0], sem)
            pltpu.async_copy(dst_hbm.at[pl.ds(base, chunk)], iset[1], sem)

        def wait_idx(iset, sem):
            for b in iset:
                pltpu.make_async_copy(src_hbm.at[pl.ds(0, chunk)], b,
                                      sem).wait()

        def start_vin(j, vset, sem):
            base = base0 + j * chunk
            pltpu.async_copy(vx_hbm.at[pl.ds(base, chunk)], vset[0], sem)
            pltpu.async_copy(vy_hbm.at[pl.ds(base, chunk)], vset[1], sem)

        def wait_vin(vset, sem):
            for b in vset:
                pltpu.make_async_copy(vx_hbm.at[pl.ds(0, chunk)], b,
                                      sem).wait()

        def diff_pass(comp, final):
            pltpu.sync_copy(comp_hbms[comp], tbl)
            start_idx(0, (sidx_a, didx_a), sem_ia)
            if final:
                start_vin(0, (vxi_a, vyi_a), sem_va)

            def compute(iset, vset, j):
                sidx, didx = iset
                base = base0 + j * chunk

                if final:
                    @plsc.parallel_loop(0, chunk, step=L, unroll=4)
                    def grp(off):
                        sl = pl.ds(off, L)
                        sv = plsc.load_gather(tbl, [sidx[sl]])
                        tv = plsc.load_gather(tbl, [didx[sl]])
                        vz = tv - sv
                        vx = vset[0][sl]
                        vy = vset[1][sl]
                        d2 = vx * vx + vy * vy + vz * vz
                        d2 = jnp.maximum(d2, 1e-12)
                        i = plsc.bitcast(d2, jnp.int32)
                        i = jnp.int32(0x5F3759DF) - (i >> 1)
                        y = plsc.bitcast(i, jnp.float32)
                        for _n in range(2):
                            y = y * (1.5 - 0.5 * d2 * y * y)
                        r = d2 * y
                        mask_b = d2 < _CUT2_EDGE
                        s = jnp.minimum(d2 * inv_cut2, 1.0)
                        q = jnp.full((L,), _SW_C[5], jnp.float32)
                        for c in (_SW_C[4], _SW_C[3], _SW_C[2],
                                  _SW_C[1], _SW_C[0]):
                            q = q * s + c
                        o_vz[sl] = vz
                        o_main[sl] = r
                        o_sw[sl] = jnp.where(mask_b, q, 0.0)
                        o_mask[sl] = jnp.where(mask_b, 1, 0).astype(jnp.int32)

                    pltpu.async_copy(o_vz, vz_hbm.at[pl.ds(base, chunk)],
                                     sem_o)
                    pltpu.async_copy(o_main, dist_hbm.at[pl.ds(base, chunk)],
                                     sem_o)
                    pltpu.async_copy(o_sw, sw_hbm.at[pl.ds(base, chunk)],
                                     sem_o)
                    pltpu.async_copy(o_mask, mask_hbm.at[pl.ds(base, chunk)],
                                     sem_o)
                else:
                    obuf = vset[2]

                    @plsc.parallel_loop(0, chunk, step=L, unroll=4)
                    def grp(off):
                        sl = pl.ds(off, L)
                        sv = plsc.load_gather(tbl, [sidx[sl]])
                        tv = plsc.load_gather(tbl, [didx[sl]])
                        obuf[sl] = tv - sv

                    out_hbm = vx_hbm if comp == 0 else vy_hbm
                    pltpu.async_copy(obuf, out_hbm.at[pl.ds(base, chunk)],
                                     sem_o)

            def drain_outs(j, obuf):
                base = base0 + j * chunk
                if final:
                    for buf, hbm in ((o_vz, vz_hbm), (o_main, dist_hbm),
                                     (o_sw, sw_hbm), (o_mask, mask_hbm)):
                        pltpu.make_async_copy(
                            buf, hbm.at[pl.ds(base, chunk)], sem_o).wait()
                else:
                    hbm = vx_hbm if comp == 0 else vy_hbm
                    pltpu.make_async_copy(
                        obuf, hbm.at[pl.ds(base, chunk)], sem_o).wait()

            def pair_body(p, _):
                j0 = 2 * p
                j1 = j0 + 1
                start_idx(j1, (sidx_b, didx_b), sem_ib)
                if final:
                    start_vin(j1, (vxi_b, vyi_b), sem_vb)
                wait_idx((sidx_a, didx_a), sem_ia)
                if final:
                    wait_vin((vxi_a, vyi_a), sem_va)

                if final:
                    @pl.when(p > 0)
                    def _():
                        drain_outs(j0 - 1, o_main)
                else:
                    @pl.when(p > 0)
                    def _():
                        drain_outs(j0 - 2, o_main)
                compute((sidx_a, didx_a), (vxi_a, vyi_a, o_main), j0)

                @pl.when(j0 + 2 < n_chunks)
                def _():
                    start_idx(j0 + 2, (sidx_a, didx_a), sem_ia)
                    if final:
                        start_vin(j0 + 2, (vxi_a, vyi_a), sem_va)
                wait_idx((sidx_b, didx_b), sem_ib)
                if final:
                    wait_vin((vxi_b, vyi_b), sem_vb)
                if final:
                    drain_outs(j0, o_main)
                else:
                    @pl.when(p > 0)
                    def _():
                        drain_outs(j1 - 2, o_vz)
                compute((sidx_b, didx_b), (vxi_b, vyi_b, o_vz), j1)
                return 0

            lax.fori_loop(0, n_chunks // 2, pair_body, 0)
            if final:
                drain_outs(n_chunks - 1, o_main)
            else:
                drain_outs(n_chunks - 2, o_main)
                drain_outs(n_chunks - 1, o_vz)

        diff_pass(0, False)
        diff_pass(1, False)
        diff_pass(2, True)

    return k


def kernel(coordinates, edge_src, edge_dst):
    n_nodes = coordinates.shape[0]
    n_edges = edge_src.shape[0]
    xs = coordinates[:, 0]
    ys = coordinates[:, 1]
    zs = coordinates[:, 2]
    k = _make_kernel(n_nodes, n_edges, chunk=2000)
    vx, vy, vz, dist, sw, mask = k(xs, ys, zs, edge_src, edge_dst)
    vec = jnp.stack([vx, vy, vz], axis=-1)
    return vec, dist, sw, mask.astype(jnp.bool_)

# --- scband reference (transcript-rebuilt; emitter-appended) ---
"""Pipeline reference for scband-graph-processor-64012192579962 (READ-ONLY COPY).

The authoritative reference and input builder live on the scoring server;
editing this copy changes nothing except your own understanding.
"""

import jax, jax.numpy as jnp
import numpy as np

CUTOFF = 5.0
N_NODES = 100000
N_EDGES = 3200000


def setup_inputs(seed: int = 0) -> dict:
    key = jax.random.key(seed)
    k1, k2, k3 = jax.random.split(key, 3)
    coordinates = jax.random.normal(k1, (N_NODES, 3), dtype=jnp.float32)
    edge_src = jax.random.randint(k2, (N_EDGES,), 0, N_NODES, dtype=jnp.int32)
    edge_dst = jax.random.randint(k3, (N_EDGES,), 0, N_NODES, dtype=jnp.int32)
    return {"coordinates": coordinates, "edge_src": edge_src, "edge_dst": edge_dst}


def reference(coordinates, edge_src, edge_dst):
    # GraphProcessor.forward (no 'cells' in inputs -> no PBC branch)
    vec = jnp.take(coordinates, edge_dst, axis=0) - jnp.take(coordinates, edge_src, axis=0)
    d2 = jnp.sum(vec * vec, axis=-1)
    # safe norm (torch.norm has zero subgradient at 0; jnp.sqrt(0) grad is inf)
    distances = jnp.sqrt(jnp.maximum(d2, 1e-12))
    edge_mask = distances < CUTOFF
    # SwitchFunction with default cosine switch: 0.5*(cos(pi*r/cutoff)+1), zeroed outside cutoff
    switch = jnp.where(edge_mask, 0.5 * (jnp.cos(jnp.pi * distances / CUTOFF) + 1.0), 0.0)
    return vec, distances, switch, edge_mask

if __name__ == "__main__":
    import jax
    _d = setup_inputs()
    print(jax.jit(kernel)(*tuple(_d.values())))

</pallas_src>

<mosaic_0001>
#map = affine_map<(d0, d1) -> (0)>
module attributes {stable_mosaic.version = 14 : i64} {
  func.func @k(%arg0: i32, %arg1: i32, %arg2: memref<100000xf32, #tpu.memory_space<hbm>>, %arg3: memref<100000xf32, #tpu.memory_space<hbm>>, %arg4: memref<100000xf32, #tpu.memory_space<hbm>>, %arg5: memref<3200000xi32, #tpu.memory_space<hbm>>, %arg6: memref<3200000xi32, #tpu.memory_space<hbm>>, %arg7: memref<3200000xf32, #tpu.memory_space<hbm>>, %arg8: memref<3200000xf32, #tpu.memory_space<hbm>>, %arg9: memref<3200000xf32, #tpu.memory_space<hbm>>, %arg10: memref<3200000xf32, #tpu.memory_space<hbm>>, %arg11: memref<3200000xf32, #tpu.memory_space<hbm>>, %arg12: memref<3200000xi32, #tpu.memory_space<hbm>>, %arg13: memref<100000xf32, #tpu.memory_space<vmem>>, %arg14: memref<2000xi32, #tpu.memory_space<vmem>>, %arg15: memref<2000xi32, #tpu.memory_space<vmem>>, %arg16: memref<2000xi32, #tpu.memory_space<vmem>>, %arg17: memref<2000xi32, #tpu.memory_space<vmem>>, %arg18: memref<2000xf32, #tpu.memory_space<vmem>>, %arg19: memref<2000xf32, #tpu.memory_space<vmem>>, %arg20: memref<2000xf32, #tpu.memory_space<vmem>>, %arg21: memref<2000xf32, #tpu.memory_space<vmem>>, %arg22: memref<2000xf32, #tpu.memory_space<vmem>>, %arg23: memref<2000xf32, #tpu.memory_space<vmem>>, %arg24: memref<2000xi32, #tpu.memory_space<vmem>>, %arg25: memref<2000xf32, #tpu.memory_space<vmem>>, %arg26: memref<!tpu.dma_semaphore, #tpu.memory_space<semaphore_mem>>, %arg27: memref<!tpu.dma_semaphore, #tpu.memory_space<semaphore_mem>>, %arg28: memref<!tpu.dma_semaphore, #tpu.memory_space<semaphore_mem>>, %arg29: memref<!tpu.dma_semaphore, #tpu.memory_space<semaphore_mem>>, %arg30: memref<!tpu.dma_semaphore, #tpu.memory_space<semaphore_mem>>) attributes {dimension_semantics = [#tpu.dimension_semantics<core_parallel>, #tpu.dimension_semantics<subcore_parallel>], iteration_bounds = array<i64: 2, 16>, scalar_prefetch = 0 : i64, scratch_operands = 18 : i64, tpu.core_type = #tpu.core_type<sc_vector_subcore>, window_params = [{transform_indices = #map}, {transform_indices = #map}, {transform_indices = #map}, {transform_indices = #map}, {transform_indices = #map}, {transform_indices = #map}, {transform_indices = #map}, {transform_indices = #map}, {transform_indices = #map}, {transform_indices = #map}, {transform_indices = #map}]} {
    %mul3A = arith.constant 2 : i32
    %mul3A_0 = arith.muli %arg1, %mul3A : i32
    %add3A = arith.addi %mul3A_0, %arg0 : i32
    %mul3A_1 = arith.constant 100000 : i32
    %mul3A_2 = arith.muli %add3A, %mul3A_1 : i32
    "tpu.region"() ({
      %run_scoped3A = tpu.sem_alloc : memref<!tpu.dma_semaphore, #tpu.memory_space<semaphore_mem>>
      tpu.enqueue_dma source(%arg2 : memref<100000xf32, #tpu.memory_space<hbm>>) target(%arg13 : memref<100000xf32, #tpu.memory_space<vmem>>) target_semaphore(%run_scoped3A : memref<!tpu.dma_semaphore, #tpu.memory_space<semaphore_mem>>)
      tpu.wait_dma2 semaphore(%run_scoped3A : memref<!tpu.dma_semaphore, #tpu.memory_space<semaphore_mem>>) src(%arg2 : memref<100000xf32, #tpu.memory_space<hbm>>) dst(%arg13 : memref<100000xf32, #tpu.memory_space<vmem>>)
      tpu.yield
    }) : () -> ()
    %add3A_3 = arith.constant 0 : i32
    %add3A_4 = arith.addi %mul3A_2, %add3A_3 : i32
    %dma_start3A = tpu.memref_slice %arg5[%add3A_4] : memref<3200000xi32, #tpu.memory_space<hbm>> -> memref<2000xi32, #tpu.memory_space<hbm>>
    %dma_start3A_5 = tpu.memref_slice %arg5[%add3A_4] : memref<3200000xi32, #tpu.memory_space<hbm>> -> memref<2000xi32, #tpu.memory_space<hbm>>
    tpu.enqueue_dma source(%dma_start3A_5 : memref<2000xi32, #tpu.memory_space<hbm>>) target(%arg14 : memref<2000xi32, #tpu.memory_space<vmem>>) target_semaphore(%arg26 : memref<!tpu.dma_semaphore, #tpu.memory_space<semaphore_mem>>)
    %dma_start3A_6 = tpu.memref_slice %arg6[%add3A_4] : memref<3200000xi32, #tpu.memory_space<hbm>> -> memref<2000xi32, #tpu.memory_space<hbm>>
    %dma_start3A_7 = tpu.memref_slice %arg6[%add3A_4] : memref<3200000xi32, #tpu.memory_space<hbm>> -> memref<2000xi32, #tpu.memory_space<hbm>>
    tpu.enqueue_dma source(%dma_start3A_7 : memref<2000xi32, #tpu.memory_space<hbm>>) target(%arg15 : memref<2000xi32, #tpu.memory_space<vmem>>) target_semaphore(%arg26 : memref<!tpu.dma_semaphore, #tpu.memory_space<semaphore_mem>>)
    %scan3A = arith.constant 0 : i32
    %scan3A_8 = arith.constant 0 : i32
    %scan3A_9 = arith.constant 25 : i32
    %scan3A_10 = arith.addi %scan3A_8, %scan3A_9 : i32
    %scan3A_11 = arith.constant 1 : i32
    %scan3A_12 = scf.for %scan3A_71 = %scan3A_8 to %scan3A_10 step %scan3A_11 iter_args(%scan3A_72 = %scan3A) -> (i32)  : i32 {
      %mul3A_73 = arith.constant 2 : i32
      %mul3A_74 = arith.muli %mul3A_73, %scan3A_71 : i32
      %add3A_75 = arith.constant 1 : i32
      %add3A_76 = arith.addi %mul3A_74, %add3A_75 : i32
      %mul3A_77 = arith.constant 2000 : i32
      %mul3A_78 = arith.muli %add3A_76, %mul3A_77 : i32
      %add3A_79 = arith.addi %mul3A_2, %mul3A_78 : i32
      %dma_start3A_80 = tpu.memref_slice %arg5[%add3A_79] : memref<3200000xi32, #tpu.memory_space<hbm>> -> memref<2000xi32, #tpu.memory_space<hbm>>
      %dma_start3A_81 = tpu.memref_slice %arg5[%add3A_79] : memref<3200000xi32, #tpu.memory_space<hbm>> -> memref<2000xi32, #tpu.memory_space<hbm>>
      tpu.enqueue_dma source(%dma_start3A_81 : memref<2000xi32, #tpu.memory_space<hbm>>) target(%arg16 : memref<2000xi32, #tpu.memory_space<vmem>>) target_semaphore(%arg27 : memref<!tpu.dma_semaphore, #tpu.memory_space<semaphore_mem>>)
      %dma_start3A_82 = tpu.memref_slice %arg6[%add3A_79] : memref<3200000xi32, #tpu.memory_space<hbm>> -> memref<2000xi32, #tpu.memory_space<hbm>>
      %dma_start3A_83 = tpu.memref_slice %arg6[%add3A_79] : memref<3200000xi32, #tpu.memory_space<hbm>> -> memref<2000xi32, #tpu.memory_space<hbm>>
      tpu.enqueue_dma source(%dma_start3A_83 : memref<2000xi32, #tpu.memory_space<hbm>>) target(%arg17 : memref<2000xi32, #tpu.memory_space<vmem>>) target_semaphore(%arg27 : memref<!tpu.dma_semaphore, #tpu.memory_space<semaphore_mem>>)
      %dma_wait3A_84 = arith.constant 0 : i32
      %dma_wait3A_85 = tpu.memref_slice %arg5[%dma_wait3A_84] : memref<3200000xi32, #tpu.memory_space<hbm>> -> memref<2000xi32, #tpu.memory_space<hbm>>
      %dma_wait3A_86 = arith.constant 0 : i32
      %dma_wait3A_87 = tpu.memref_slice %arg5[%dma_wait3A_86] : memref<3200000xi32, #tpu.memory_space<hbm>> -> memref<2000xi32, #tpu.memory_space<hbm>>
      tpu.wait_dma2 semaphore(%arg26 : memref<!tpu.dma_semaphore, #tpu.memory_space<semaphore_mem>>) src(%dma_wait3A_87 : memref<2000xi32, #tpu.memory_space<hbm>>) dst(%arg14 : memref<2000xi32, #tpu.memory_space<vmem>>)
      %dma_wait3A_88 = arith.constant 0 : i32
      %dma_wait3A_89 = tpu.memref_slice %arg5[%dma_wait3A_88] : memref<3200000xi32, #tpu.memory_space<hbm>> -> memref<2000xi32, #tpu.memory_space<hbm>>
      %dma_wait3A_90 = arith.constant 0 : i32
      %dma_wait3A_91 = tpu.memref_slice %arg5[%dma_wait3A_90] : memref<3200000xi32, #tpu.memory_space<hbm>> -> memref<2000xi32, #tpu.memory_space<hbm>>
      tpu.wait_dma2 semaphore(%arg26 : memref<!tpu.dma_semaphore, #tpu.memory_space<semaphore_mem>>) src(%dma_wait3A_91 : memref<2000xi32, #tpu.memory_space<hbm>>) dst(%arg15 : memref<2000xi32, #tpu.memory_space<vmem>>)
      %gt3A = arith.constant 0 : i32
      %gt3A_92 = arith.cmpi sgt, %scan3A_71, %gt3A : i32
      %convert_element_type3A = arith.extui %gt3A_92 : i1 to i32
      %cond3A = arith.constant 0 : i32
      %cond3A_93 = arith.cmpi ne, %convert_element_type3A, %cond3A : i32
      scf.if %cond3A_93 {
        %sub3A = arith.constant 2 : i32
        %sub3A_129 = arith.subi %mul3A_74, %sub3A : i32
        %mul3A_130 = arith.constant 2000 : i32
        %mul3A_131 = arith.muli %sub3A_129, %mul3A_130 : i32
        %add3A_132 = arith.addi %mul3A_2, %mul3A_131 : i32
        %dma_wait3A_133 = tpu.memref_slice %arg7[%add3A_132] : memref<3200000xf32, #tpu.memory_space<hbm>> -> memref<2000xf32, #tpu.memory_space<hbm>>
        %dma_wait3A_134 = tpu.memref_slice %arg7[%add3A_132] : memref<3200000xf32, #tpu.memory_space<hbm>> -> memref<2000xf32, #tpu.memory_space<hbm>>
        tpu.wait_dma2 semaphore(%arg30 : memref<!tpu.dma_semaphore, #tpu.memory_space<semaphore_mem>>) src(%arg22 : memref<2000xf32, #tpu.memory_space<vmem>>) dst(%dma_wait3A_134 : memref<2000xf32, #tpu.memory_space<hbm>>)
      } else {
      }
      %mul3A_94 = arith.constant 2000 : i32
      %mul3A_95 = arith.muli %mul3A_74, %mul3A_94 : i32
      %add3A_96 = arith.addi %mul3A_2, %mul3A_95 : i32
      %parallel_loop3A = arith.constant 0 : i32
      %parallel_loop3A_97 = arith.constant 2000 : i32
      %parallel_loop3A_98 = arith.constant 16 : i32
      scf.for %parallel_loop3A_129 = %parallel_loop3A to %parallel_loop3A_97 step %parallel_loop3A_98  : i32 {
        %parallel_loop3A_130 = arith.index_cast %parallel_loop3A_129 : i32 to index
        %parallel_loop3A_131 = tpu.vector_load %arg14[%parallel_loop3A_130] {strides = array<i32>} : memref<2000xi32, #tpu.memory_space<vmem>>, vector<16xi32>,
        %parallel_loop3A_132 = tpu.vector_load_idx %arg13[%parallel_loop3A_131] : memref<100000xf32, #tpu.memory_space<vmem>>[vector<16xi32>], vector<16xf32>,
        %parallel_loop3A_133 = arith.index_cast %parallel_loop3A_129 : i32 to index
        %parallel_loop3A_134 = tpu.vector_load %arg15[%parallel_loop3A_133] {strides = array<i32>} : memref<2000xi32, #tpu.memory_space<vmem>>, vector<16xi32>,
        %parallel_loop3A_135 = tpu.vector_load_idx %arg13[%parallel_loop3A_134] : memref<100000xf32, #tpu.memory_space<vmem>>[vector<16xi32>], vector<16xf32>,
        %parallel_loop3A_136 = arith.subf %parallel_loop3A_135, %parallel_loop3A_132 : vector<16xf32>
        %parallel_loop3A_137 = arith.index_cast %parallel_loop3A_129 : i32 to index
        %parallel_loop3A_138 = tpu.vector_load %arg22[%parallel_loop3A_137] {strides = array<i32>} : memref<2000xf32, #tpu.memory_space<vmem>>, vector<16xf32>,
        tpu.vector_store %arg22[%parallel_loop3A_137], %parallel_loop3A_136 {strides = array<i32>} : memref<2000xf32, #tpu.memory_space<vmem>>, vector<16xf32>,
      } {sc.loop_unroll_factor = 4 : i64, sc.parallel_access}
      %dma_start3A_99 = tpu.memref_slice %arg7[%add3A_96] : memref<3200000xf32, #tpu.memory_space<hbm>> -> memref<2000xf32, #tpu.memory_space<hbm>>
      %dma_start3A_100 = tpu.memref_slice %arg7[%add3A_96] : memref<3200000xf32, #tpu.memory_space<hbm>> -> memref<2000xf32, #tpu.memory_space<hbm>>
      tpu.enqueue_dma source(%arg22 : memref<2000xf32, #tpu.memory_space<vmem>>) target(%dma_start3A_100 : memref<2000xf32, #tpu.memory_space<hbm>>) target_semaphore(%arg30 : memref<!tpu.dma_semaphore, #tpu.memory_space<semaphore_mem>>)
      %add3A_101 = arith.constant 2 : i32
      %add3A_102 = arith.addi %mul3A_74, %add3A_101 : i32
      %lt3A = arith.constant 50 : i32
      %lt3A_103 = arith.cmpi slt, %add3A_102, %lt3A : i32
      %convert_element_type3A_104 = arith.extui %lt3A_103 : i1 to i32
      %cond3A_105 = arith.constant 0 : i32
      %cond3A_106 = arith.cmpi ne, %convert_element_type3A_104, %cond3A_105 : i32
      scf.if %cond3A_106 {
        %add3A_129 = arith.constant 2 : i32
        %add3A_130 = arith.addi %mul3A_74, %add3A_129 : i32
        %mul3A_131 = arith.constant 2000 : i32
        %mul3A_132 = arith.muli %add3A_130, %mul3A_131 : i32
        %add3A_133 = arith.addi %mul3A_2, %mul3A_132 : i32
        %dma_start3A_134 = tpu.memref_slice %arg5[%add3A_133] : memref<3200000xi32, #tpu.memory_space<hbm>> -> memref<2000xi32, #tpu.memory_space<hbm>>
        %dma_start3A_135 = tpu.memref_slice %arg5[%add3A_133] : memref<3200000xi32, #tpu.memory_space<hbm>> -> memref<2000xi32, #tpu.memory_space<hbm>>
        tpu.enqueue_dma source(%dma_start3A_135 : memref<2000xi32, #tpu.memory_space<hbm>>) target(%arg14 : memref<2000xi32, #tpu.memory_space<vmem>>) target_semaphore(%arg26 : memref<!tpu.dma_semaphore, #tpu.memory_space<semaphore_mem>>)
        %dma_start3A_136 = tpu.memref_slice %arg6[%add3A_133] : memref<3200000xi32, #tpu.memory_space<hbm>> -> memref<2000xi32, #tpu.memory_space<hbm>>
        %dma_start3A_137 = tpu.memref_slice %arg6[%add3A_133] : memref<3200000xi32, #tpu.memory_space<hbm>> -> memref<2000xi32, #tpu.memory_space<hbm>>
        tpu.enqueue_dma source(%dma_start3A_137 : memref<2000xi32, #tpu.memory_space<hbm>>) target(%arg15 : memref<2000xi32, #tpu.memory_space<vmem>>) target_semaphore(%arg26 : memref<!tpu.dma_semaphore, #tpu.memory_space<semaphore_mem>>)
      } else {
      }
      %dma_wait3A_107 = arith.constant 0 : i32
      %dma_wait3A_108 = tpu.memref_slice %arg5[%dma_wait3A_107] : memref<3200000xi32, #tpu.memory_space<hbm>> -> memref<2000xi32, #tpu.memory_space<hbm>>
      %dma_wait3A_109 = arith.constant 0 : i32
      %dma_wait3A_110 = tpu.memref_slice %arg5[%dma_wait3A_109] : memref<3200000xi32, #tpu.memory_space<hbm>> -> memref<2000xi32, #tpu.memory_space<hbm>>
      tpu.wait_dma2 semaphore(%arg27 : memref<!tpu.dma_semaphore, #tpu.memory_space<semaphore_mem>>) src(%dma_wait3A_110 : memref<2000xi32, #tpu.memory_space<hbm>>) dst(%arg16 : memref<2000xi32, #tpu.memory_space<vmem>>)
      %dma_wait3A_111 = arith.constant 0 : i32
      %dma_wait3A_112 = tpu.memref_slice %arg5[%dma_wait3A_111] : memref<3200000xi32, #tpu.memory_space<hbm>> -> memref<2000xi32, #tpu.memory_space<hbm>>
      %dma_wait3A_113 = arith.constant 0 : i32
      %dma_wait3A_114 = tpu.memref_slice %arg5[%dma_wait3A_113] : memref<3200000xi32, #tpu.memory_space<hbm>> -> memref<2000xi32, #tpu.memory_space<hbm>>
      tpu.wait_dma2 semaphore(%arg27 : memref<!tpu.dma_semaphore, #tpu.memory_space<semaphore_mem>>) src(%dma_wait3A_114 : memref<2000xi32, #tpu.memory_space<hbm>>) dst(%arg17 : memref<2000xi32, #tpu.memory_space<vmem>>)
      %gt3A_115 = arith.constant 0 : i32
      %gt3A_116 = arith.cmpi sgt, %scan3A_71, %gt3A_115 : i32
      %convert_element_type3A_117 = arith.extui %gt3A_116 : i1 to i32
      %cond3A_118 = arith.constant 0 : i32
      %cond3A_119 = arith.cmpi ne, %convert_element_type3A_117, %cond3A_118 : i32
      scf.if %cond3A_119 {
        %sub3A = arith.constant 2 : i32
        %sub3A_129 = arith.subi %add3A_76, %sub3A : i32
        %mul3A_130 = arith.constant 2000 : i32
        %mul3A_131 = arith.muli %sub3A_129, %mul3A_130 : i32
        %add3A_132 = arith.addi %mul3A_2, %mul3A_131 : i32
        %dma_wait3A_133 = tpu.memref_slice %arg7[%add3A_132] : memref<3200000xf32, #tpu.memory_space<hbm>> -> memref<2000xf32, #tpu.memory_space<hbm>>
        %dma_wait3A_134 = tpu.memref_slice %arg7[%add3A_132] : memref<3200000xf32, #tpu.memory_space<hbm>> -> memref<2000xf32, #tpu.memory_space<hbm>>
        tpu.wait_dma2 semaphore(%arg30 : memref<!tpu.dma_semaphore, #tpu.memory_space<semaphore_mem>>) src(%arg25 : memref<2000xf32, #tpu.memory_space<vmem>>) dst(%dma_wait3A_134 : memref<2000xf32, #tpu.memory_space<hbm>>)
      } else {
      }
      %mul3A_120 = arith.constant 2000 : i32
      %mul3A_121 = arith.muli %add3A_76, %mul3A_120 : i32
      %add3A_122 = arith.addi %mul3A_2, %mul3A_121 : i32
      %parallel_loop3A_123 = arith.constant 0 : i32
      %parallel_loop3A_124 = arith.constant 2000 : i32
      %parallel_loop3A_125 = arith.constant 16 : i32
      scf.for %parallel_loop3A_129 = %parallel_loop3A_123 to %parallel_loop3A_124 step %parallel_loop3A_125  : i32 {
        %parallel_loop3A_130 = arith.index_cast %parallel_loop3A_129 : i32 to index
        %parallel_loop3A_131 = tpu.vector_load %arg16[%parallel_loop3A_130] {strides = array<i32>} : memref<2000xi32, #tpu.memory_space<vmem>>, vector<16xi32>,
        %parallel_loop3A_132 = tpu.vector_load_idx %arg13[%parallel_loop3A_131] : memref<100000xf32, #tpu.memory_space<vmem>>[vector<16xi32>], vector<16xf32>,
        %parallel_loop3A_133 = arith.index_cast %parallel_loop3A_129 : i32 to index
        %parallel_loop3A_134 = tpu.vector_load %arg17[%parallel_loop3A_133] {strides = array<i32>} : memref<2000xi32, #tpu.memory_space<vmem>>, vector<16xi32>,
        %parallel_loop3A_135 = tpu.vector_load_idx %arg13[%parallel_loop3A_134] : memref<100000xf32, #tpu.memory_space<vmem>>[vector<16xi32>], vector<16xf32>,
        %parallel_loop3A_136 = arith.subf %parallel_loop3A_135, %parallel_loop3A_132 : vector<16xf32>
        %parallel_loop3A_137 = arith.index_cast %parallel_loop3A_129 : i32 to index
        %parallel_loop3A_138 = tpu.vector_load %arg25[%parallel_loop3A_137] {strides = array<i32>} : memref<2000xf32, #tpu.memory_space<vmem>>, vector<16xf32>,
        tpu.vector_store %arg25[%parallel_loop3A_137], %parallel_loop3A_136 {strides = array<i32>} : memref<2000xf32, #tpu.memory_space<vmem>>, vector<16xf32>,
      } {sc.loop_unroll_factor = 4 : i64, sc.parallel_access}
      %dma_start3A_126 = tpu.memref_slice %arg7[%add3A_122] : memref<3200000xf32, #tpu.memory_space<hbm>> -> memref<2000xf32, #tpu.memory_space<hbm>>
      %dma_start3A_127 = tpu.memref_slice %arg7[%add3A_122] : memref<3200000xf32, #tpu.memory_space<hbm>> -> memref<2000xf32, #tpu.memory_space<hbm>>
      tpu.enqueue_dma source(%arg25 : memref<2000xf32, #tpu.memory_space<vmem>>) target(%dma_start3A_127 : memref<2000xf32, #tpu.memory_space<hbm>>) target_semaphore(%arg30 : memref<!tpu.dma_semaphore, #tpu.memory_space<semaphore_mem>>)
      %scan3A_128 = arith.constant 0 : i32
      scf.yield %scan3A_128 : i32
    }
    %scan3A_13 = arith.constant 25 : i32
    %add3A_14 = arith.constant 96000 : i32
    %add3A_15 = arith.addi %mul3A_2, %add3A_14 : i32
    %dma_wait3A = tpu.memref_slice %arg7[%add3A_15] : memref<3200000xf32, #tpu.memory_space<hbm>> -> memref<2000xf32, #tpu.memory_space<hbm>>
    %dma_wait3A_16 = tpu.memref_slice %arg7[%add3A_15] : memref<3200000xf32, #tpu.memory_space<hbm>> -> memref<2000xf32, #tpu.memory_space<hbm>>
    tpu.wait_dma2 semaphore(%arg30 : memref<!tpu.dma_semaphore, #tpu.memory_space<semaphore_mem>>) src(%arg22 : memref<2000xf32, #tpu.memory_space<vmem>>) dst(%dma_wait3A_16 : memref<2000xf32, #tpu.memory_space<hbm>>)
    %add3A_17 = arith.constant 98000 : i32
    %add3A_18 = arith.addi %mul3A_2, %add3A_17 : i32
    %dma_wait3A_19 = tpu.memref_slice %arg7[%add3A_18] : memref<3200000xf32, #tpu.memory_space<hbm>> -> memref<2000xf32, #tpu.memory_space<hbm>>
    %dma_wait3A_20 = tpu.memref_slice %arg7[%add3A_18] : memref<3200000xf32, #tpu.memory_space<hbm>> -> memref<2000xf32, #tpu.memory_space<hbm>>
    tpu.wait_dma2 semaphore(%arg30 : memref<!tpu.dma_semaphore, #tpu.memory_space<semaphore_mem>>) src(%arg25 : memref<2000xf32, #tpu.memory_space<vmem>>) dst(%dma_wait3A_20 : memref<2000xf32, #tpu.memory_space<hbm>>)
    "tpu.region"() ({
      %run_scoped3A = tpu.sem_alloc : memref<!tpu.dma_semaphore, #tpu.memory_space<semaphore_mem>>
      tpu.enqueue_dma source(%arg3 : memref<100000xf32, #tpu.memory_space<hbm>>) target(%arg13 : memref<100000xf32, #tpu.memory_space<vmem>>) target_semaphore(%run_scoped3A : memref<!tpu.dma_semaphore, #tpu.memory_space<semaphore_mem>>)
      tpu.wait_dma2 semaphore(%run_scoped3A : memref<!tpu.dma_semaphore, #tpu.memory_space<semaphore_mem>>) src(%arg3 : memref<100000xf32, #tpu.memory_space<hbm>>) dst(%arg13 : memref<100000xf32, #tpu.memory_space<vmem>>)
      tpu.yield
    }) : () -> ()
    %add3A_21 = arith.constant 0 : i32
    %add3A_22 = arith.addi %mul3A_2, %add3A_21 : i32
    %dma_start3A_23 = tpu.memref_slice %arg5[%add3A_22] : memref<3200000xi32, #tpu.memory_space<hbm>> -> memref<2000xi32, #tpu.memory_space<hbm>>
    %dma_start3A_24 = tpu.memref_slice %arg5[%add3A_22] : memref<3200000xi32, #tpu.memory_space<hbm>> -> memref<2000xi32, #tpu.memory_space<hbm>>
    tpu.enqueue_dma source(%dma_start3A_24 : memref<2000xi32, #tpu.memory_space<hbm>>) target(%arg14 : memref<2000xi32, #tpu.memory_space<vmem>>) target_semaphore(%arg26 : memref<!tpu.dma_semaphore, #tpu.memory_space<semaphore_mem>>)
    %dma_start3A_25 = tpu.memref_slice %arg6[%add3A_22] : memref<3200000xi32, #tpu.memory_space<hbm>> -> memref<2000xi32, #tpu.memory_space<hbm>>
    %dma_start3A_26 = tpu.memref_slice %arg6[%add3A_22] : memref<3200000xi32, #tpu.memory_space<hbm>> -> memref<2000xi32, #tpu.memory_space<hbm>>
    tpu.enqueue_dma source(%dma_start3A_26 : memref<2000xi32, #tpu.memory_space<hbm>>) target(%arg15 : memref<2000xi32, #tpu.memory_space<vmem>>) target_semaphore(%arg26 : memref<!tpu.dma_semaphore, #tpu.memory_space<semaphore_mem>>)
    %scan3A_27 = arith.constant 0 : i32
    %scan3A_28 = arith.constant 0 : i32
    %scan3A_29 = arith.constant 25 : i32
    %scan3A_30 = arith.addi %scan3A_28, %scan3A_29 : i32
    %scan3A_31 = arith.constant 1 : i32
    %scan3A_32 = scf.for %scan3A_71 = %scan3A_28 to %scan3A_30 step %scan3A_31 iter_args(%scan3A_72 = %scan3A_27) -> (i32)  : i32 {
      %mul3A_73 = arith.constant 2 : i32
      %mul3A_74 = arith.muli %mul3A_73, %scan3A_71 : i32
      %add3A_75 = arith.constant 1 : i32
      %add3A_76 = arith.addi %mul3A_74, %add3A_75 : i32
      %mul3A_77 = arith.constant 2000 : i32
      %mul3A_78 = arith.muli %add3A_76, %mul3A_77 : i32
      %add3A_79 = arith.addi %mul3A_2, %mul3A_78 : i32
      %dma_start3A_80 = tpu.memref_slice %arg5[%add3A_79] : memref<3200000xi32, #tpu.memory_space<hbm>> -> memref<2000xi32, #tpu.memory_space<hbm>>
      %dma_start3A_81 = tpu.memref_slice %arg5[%add3A_79] : memref<3200000xi32, #tpu.memory_space<hbm>> -> memref<2000xi32, #tpu.memory_space<hbm>>
      tpu.enqueue_dma source(%dma_start3A_81 : memref<2000xi32, #tpu.memory_space<hbm>>) target(%arg16 : memref<2000xi32, #tpu.memory_space<vmem>>) target_semaphore(%arg27 : memref<!tpu.dma_semaphore, #tpu.memory_space<semaphore_mem>>)
      %dma_start3A_82 = tpu.memref_slice %arg6[%add3A_79] : memref<3200000xi32, #tpu.memory_space<hbm>> -> memref<2000xi32, #tpu.memory_space<hbm>>
      %dma_start3A_83 = tpu.memref_slice %arg6[%add3A_79] : memref<3200000xi32, #tpu.memory_space<hbm>> -> memref<2000xi32, #tpu.memory_space<hbm>>
      tpu.enqueue_dma source(%dma_start3A_83 : memref<2000xi32, #tpu.memory_space<hbm>>) target(%arg17 : memref<2000xi32, #tpu.memory_space<vmem>>) target_semaphore(%arg27 : memref<!tpu.dma_semaphore, #tpu.memory_space<semaphore_mem>>)
      %dma_wait3A_84 = arith.constant 0 : i32
      %dma_wait3A_85 = tpu.memref_slice %arg5[%dma_wait3A_84] : memref<3200000xi32, #tpu.memory_space<hbm>> -> memref<2000xi32, #tpu.memory_space<hbm>>
      %dma_wait3A_86 = arith.constant 0 : i32
      %dma_wait3A_87 = tpu.memref_slice %arg5[%dma_wait3A_86] : memref<3200000xi32, #tpu.memory_space<hbm>> -> memref<2000xi32, #tpu.memory_space<hbm>>
      tpu.wait_dma2 semaphore(%arg26 : memref<!tpu.dma_semaphore, #tpu.memory_space<semaphore_mem>>) src(%dma_wait3A_87 : memref<2000xi32, #tpu.memory_space<hbm>>) dst(%arg14 : memref<2000xi32, #tpu.memory_space<vmem>>)
      %dma_wait3A_88 = arith.constant 0 : i32
      %dma_wait3A_89 = tpu.memref_slice %arg5[%dma_wait3A_88] : memref<3200000xi32, #tpu.memory_space<hbm>> -> memref<2000xi32, #tpu.memory_space<hbm>>
      %dma_wait3A_90 = arith.constant 0 : i32
      %dma_wait3A_91 = tpu.memref_slice %arg5[%dma_wait3A_90] : memref<3200000xi32, #tpu.memory_space<hbm>> -> memref<2000xi32, #tpu.memory_space<hbm>>
      tpu.wait_dma2 semaphore(%arg26 : memref<!tpu.dma_semaphore, #tpu.memory_space<semaphore_mem>>) src(%dma_wait3A_91 : memref<2000xi32, #tpu.memory_space<hbm>>) dst(%arg15 : memref<2000xi32, #tpu.memory_space<vmem>>)
      %gt3A = arith.constant 0 : i32
      %gt3A_92 = arith.cmpi sgt, %scan3A_71, %gt3A : i32
      %convert_element_type3A = arith.extui %gt3A_92 : i1 to i32
      %cond3A = arith.constant 0 : i32
      %cond3A_93 = arith.cmpi ne, %convert_element_type3A, %cond3A : i32
      scf.if %cond3A_93 {
        %sub3A = arith.constant 2 : i32
        %sub3A_129 = arith.subi %mul3A_74, %sub3A : i32
        %mul3A_130 = arith.constant 2000 : i32
        %mul3A_131 = arith.muli %sub3A_129, %mul3A_130 : i32
        %add3A_132 = arith.addi %mul3A_2, %mul3A_131 : i32
        %dma_wait3A_133 = tpu.memref_slice %arg8[%add3A_132] : memref<3200000xf32, #tpu.memory_space<hbm>> -> memref<2000xf32, #tpu.memory_space<hbm>>
        %dma_wait3A_134 = tpu.memref_slice %arg8[%add3A_132] : memref<3200000xf32, #tpu.memory_space<hbm>> -> memref<2000xf32, #tpu.memory_space<hbm>>
        tpu.wait_dma2 semaphore(%arg30 : memref<!tpu.dma_semaphore, #tpu.memory_space<semaphore_mem>>) src(%arg22 : memref<2000xf32, #tpu.memory_space<vmem>>) dst(%dma_wait3A_134 : memref<2000xf32, #tpu.memory_space<hbm>>)
      } else {
      }
      %mul3A_94 = arith.constant 2000 : i32
      %mul3A_95 = arith.muli %mul3A_74, %mul3A_94 : i32
      %add3A_96 = arith.addi %mul3A_2, %mul3A_95 : i32
      %parallel_loop3A = arith.constant 0 : i32
      %parallel_loop3A_97 = arith.constant 2000 : i32
      %parallel_loop3A_98 = arith.constant 16 : i32
      scf.for %parallel_loop3A_129 = %parallel_loop3A to %parallel_loop3A_97 step %parallel_loop3A_98  : i32 {
        %parallel_loop3A_130 = arith.index_cast %parallel_loop3A_129 : i32 to index
        %parallel_loop3A_131 = tpu.vector_load %arg14[%parallel_loop3A_130] {strides = array<i32>} : memref<2000xi32, #tpu.memory_space<vmem>>, vector<16xi32>,
        %parallel_loop3A_132 = tpu.vector_load_idx %arg13[%parallel_loop3A_131] : memref<100000xf32, #tpu.memory_space<vmem>>[vector<16xi32>], vector<16xf32>,
        %parallel_loop3A_133 = arith.index_cast %parallel_loop3A_129 : i32 to index
        %parallel_loop3A_134 = tpu.vector_load %arg15[%parallel_loop3A_133] {strides = array<i32>} : memref<2000xi32, #tpu.memory_space<vmem>>, vector<16xi32>,
        %parallel_loop3A_135 = tpu.vector_load_idx %arg13[%parallel_loop3A_134] : memref<100000xf32, #tpu.memory_space<vmem>>[vector<16xi32>], vector<16xf32>,
        %parallel_loop3A_136 = arith.subf %parallel_loop3A_135, %parallel_loop3A_132 : vector<16xf32>
        %parallel_loop3A_137 = arith.index_cast %parallel_loop3A_129 : i32 to index
        %parallel_loop3A_138 = tpu.vector_load %arg22[%parallel_loop3A_137] {strides = array<i32>} : memref<2000xf32, #tpu.memory_space<vmem>>, vector<16xf32>,
        tpu.vector_store %arg22[%parallel_loop3A_137], %parallel_loop3A_136 {strides = array<i32>} : memref<2000xf32, #tpu.memory_space<vmem>>, vector<16xf32>,
      } {sc.loop_unroll_factor = 4 : i64, sc.parallel_access}
      %dma_start3A_99 = tpu.memref_slice %arg8[%add3A_96] : memref<3200000xf32, #tpu.memory_space<hbm>> -> memref<2000xf32, #tpu.memory_space<hbm>>
      %dma_start3A_100 = tpu.memref_slice %arg8[%add3A_96] : memref<3200000xf32, #tpu.memory_space<hbm>> -> memref<2000xf32, #tpu.memory_space<hbm>>
      tpu.enqueue_dma source(%arg22 : memref<2000xf32, #tpu.memory_space<vmem>>) target(%dma_start3A_100 : memref<2000xf32, #tpu.memory_space<hbm>>) target_semaphore(%arg30 : memref<!tpu.dma_semaphore, #tpu.memory_space<semaphore_mem>>)
      %add3A_101 = arith.constant 2 : i32
      %add3A_102 = arith.addi %mul3A_74, %add3A_101 : i32
      %lt3A = arith.constant 50 : i32
      %lt3A_103 = arith.cmpi slt, %add3A_102, %lt3A : i32
      %convert_element_type3A_104 = arith.extui %lt3A_103 : i1 to i32
      %cond3A_105 = arith.constant 0 : i32
      %cond3A_106 = arith.cmpi ne, %convert_element_type3A_104, %cond3A_105 : i32
      scf.if %cond3A_106 {
        %add3A_129 = arith.constant 2 : i32
        %add3A_130 = arith.addi %mul3A_74, %add3A_129 : i32
        %mul3A_131 = arith.constant 2000 : i32
        %mul3A_132 = arith.muli %add3A_130, %mul3A_131 : i32
        %add3A_133 = arith.addi %mul3A_2, %mul3A_132 : i32
        %dma_start3A_134 = tpu.memref_slice %arg5[%add3A_133] : memref<3200000xi32, #tpu.memory_space<hbm>> -> memref<2000xi32, #tpu.memory_space<hbm>>
        %dma_start3A_135 = tpu.memref_slice %arg5[%add3A_133] : memref<3200000xi32, #tpu.memory_space<hbm>> -> memref<2000xi32, #tpu.memory_space<hbm>>
        tpu.enqueue_dma source(%dma_start3A_135 : memref<2000xi32, #tpu.memory_space<hbm>>) target(%arg14 : memref<2000xi32, #tpu.memory_space<vmem>>) target_semaphore(%arg26 : memref<!tpu.dma_semaphore, #tpu.memory_space<semaphore_mem>>)
        %dma_start3A_136 = tpu.memref_slice %arg6[%add3A_133] : memref<3200000xi32, #tpu.memory_space<hbm>> -> memref<2000xi32, #tpu.memory_space<hbm>>
        %dma_start3A_137 = tpu.memref_slice %arg6[%add3A_133] : memref<3200000xi32, #tpu.memory_space<hbm>> -> memref<2000xi32, #tpu.memory_space<hbm>>
        tpu.enqueue_dma source(%dma_start3A_137 : memref<2000xi32, #tpu.memory_space<hbm>>) target(%arg15 : memref<2000xi32, #tpu.memory_space<vmem>>) target_semaphore(%arg26 : memref<!tpu.dma_semaphore, #tpu.memory_space<semaphore_mem>>)
      } else {
      }
      %dma_wait3A_107 = arith.constant 0 : i32
      %dma_wait3A_108 = tpu.memref_slice %arg5[%dma_wait3A_107] : memref<3200000xi32, #tpu.memory_space<hbm>> -> memref<2000xi32, #tpu.memory_space<hbm>>
      %dma_wait3A_109 = arith.constant 0 : i32
      %dma_wait3A_110 = tpu.memref_slice %arg5[%dma_wait3A_109] : memref<3200000xi32, #tpu.memory_space<hbm>> -> memref<2000xi32, #tpu.memory_space<hbm>>
      tpu.wait_dma2 semaphore(%arg27 : memref<!tpu.dma_semaphore, #tpu.memory_space<semaphore_mem>>) src(%dma_wait3A_110 : memref<2000xi32, #tpu.memory_space<hbm>>) dst(%arg16 : memref<2000xi32, #tpu.memory_space<vmem>>)
      %dma_wait3A_111 = arith.constant 0 : i32
      %dma_wait3A_112 = tpu.memref_slice %arg5[%dma_wait3A_111] : memref<3200000xi32, #tpu.memory_space<hbm>> -> memref<2000xi32, #tpu.memory_space<hbm>>
      %dma_wait3A_113 = arith.constant 0 : i32
      %dma_wait3A_114 = tpu.memref_slice %arg5[%dma_wait3A_113] : memref<3200000xi32, #tpu.memory_space<hbm>> -> memref<2000xi32, #tpu.memory_space<hbm>>
      tpu.wait_dma2 semaphore(%arg27 : memref<!tpu.dma_semaphore, #tpu.memory_space<semaphore_mem>>) src(%dma_wait3A_114 : memref<2000xi32, #tpu.memory_space<hbm>>) dst(%arg17 : memref<2000xi32, #tpu.memory_space<vmem>>)
      %gt3A_115 = arith.constant 0 : i32
      %gt3A_116 = arith.cmpi sgt, %scan3A_71, %gt3A_115 : i32
      %convert_element_type3A_117 = arith.extui %gt3A_116 : i1 to i32
      %cond3A_118 = arith.constant 0 : i32
      %cond3A_119 = arith.cmpi ne, %convert_element_type3A_117, %cond3A_118 : i32
      scf.if %cond3A_119 {
        %sub3A = arith.constant 2 : i32
        %sub3A_129 = arith.subi %add3A_76, %sub3A : i32
        %mul3A_130 = arith.constant 2000 : i32
        %mul3A_131 = arith.muli %sub3A_129, %mul3A_130 : i32
        %add3A_132 = arith.addi %mul3A_2, %mul3A_131 : i32
        %dma_wait3A_133 = tpu.memref_slice %arg8[%add3A_132] : memref<3200000xf32, #tpu.memory_space<hbm>> -> memref<2000xf32, #tpu.memory_space<hbm>>
        %dma_wait3A_134 = tpu.memref_slice %arg8[%add3A_132] : memref<3200000xf32, #tpu.memory_space<hbm>> -> memref<2000xf32, #tpu.memory_space<hbm>>
        tpu.wait_dma2 semaphore(%arg30 : memref<!tpu.dma_semaphore, #tpu.memory_space<semaphore_mem>>) src(%arg25 : memref<2000xf32, #tpu.memory_space<vmem>>) dst(%dma_wait3A_134 : memref<2000xf32, #tpu.memory_space<hbm>>)
      } else {
      }
      %mul3A_120 = arith.constant 2000 : i32
      %mul3A_121 = arith.muli %add3A_76, %mul3A_120 : i32
      %add3A_122 = arith.addi %mul3A_2, %mul3A_121 : i32
      %parallel_loop3A_123 = arith.constant 0 : i32
      %parallel_loop3A_124 = arith.constant 2000 : i32
      %parallel_loop3A_125 = arith.constant 16 : i32
      scf.for %parallel_loop3A_129 = %parallel_loop3A_123 to %parallel_loop3A_124 step %parallel_loop3A_125  : i32 {
        %parallel_loop3A_130 = arith.index_cast %parallel_loop3A_129 : i32 to index
        %parallel_loop3A_131 = tpu.vector_load %arg16[%parallel_loop3A_130] {strides = array<i32>} : memref<2000xi32, #tpu.memory_space<vmem>>, vector<16xi32>,
        %parallel_loop3A_132 = tpu.vector_load_idx %arg13[%parallel_loop3A_131] : memref<100000xf32, #tpu.memory_space<vmem>>[vector<16xi32>], vector<16xf32>,
        %parallel_loop3A_133 = arith.index_cast %parallel_loop3A_129 : i32 to index
        %parallel_loop3A_134 = tpu.vector_load %arg17[%parallel_loop3A_133] {strides = array<i32>} : memref<2000xi32, #tpu.memory_space<vmem>>, vector<16xi32>,
        %parallel_loop3A_135 = tpu.vector_load_idx %arg13[%parallel_loop3A_134] : memref<100000xf32, #tpu.memory_space<vmem>>[vector<16xi32>], vector<16xf32>,
        %parallel_loop3A_136 = arith.subf %parallel_loop3A_135, %parallel_loop3A_132 : vector<16xf32>
        %parallel_loop3A_137 = arith.index_cast %parallel_loop3A_129 : i32 to index
        %parallel_loop3A_138 = tpu.vector_load %arg25[%parallel_loop3A_137] {strides = array<i32>} : memref<2000xf32, #tpu.memory_space<vmem>>, vector<16xf32>,
        tpu.vector_store %arg25[%parallel_loop3A_137], %parallel_loop3A_136 {strides = array<i32>} : memref<2000xf32, #tpu.memory_space<vmem>>, vector<16xf32>,
      } {sc.loop_unroll_factor = 4 : i64, sc.parallel_access}
      %dma_start3A_126 = tpu.memref_slice %arg8[%add3A_122] : memref<3200000xf32, #tpu.memory_space<hbm>> -> memref<2000xf32, #tpu.memory_space<hbm>>
      %dma_start3A_127 = tpu.memref_slice %arg8[%add3A_122] : memref<3200000xf32, #tpu.memory_space<hbm>> -> memref<2000xf32, #tpu.memory_space<hbm>>
      tpu.enqueue_dma source(%arg25 : memref<2000xf32, #tpu.memory_space<vmem>>) target(%dma_start3A_127 : memref<2000xf32, #tpu.memory_space<hbm>>) target_semaphore(%arg30 : memref<!tpu.dma_semaphore, #tpu.memory_space<semaphore_mem>>)
      %scan3A_128 = arith.constant 0 : i32
      scf.yield %scan3A_128 : i32
    }
    %scan3A_33 = arith.constant 25 : i32
    %add3A_34 = arith.constant 96000 : i32
    %add3A_35 = arith.addi %mul3A_2, %add3A_34 : i32
    %dma_wait3A_36 = tpu.memref_slice %arg8[%add3A_35] : memref<3200000xf32, #tpu.memory_space<hbm>> -> memref<2000xf32, #tpu.memory_space<hbm>>
    %dma_wait3A_37 = tpu.memref_slice %arg8[%add3A_35] : memref<3200000xf32, #tpu.memory_space<hbm>> -> memref<2000xf32, #tpu.memory_space<hbm>>
    tpu.wait_dma2 semaphore(%arg30 : memref<!tpu.dma_semaphore, #tpu.memory_space<semaphore_mem>>) src(%arg22 : memref<2000xf32, #tpu.memory_space<vmem>>) dst(%dma_wait3A_37 : memref<2000xf32, #tpu.memory_space<hbm>>)
    %add3A_38 = arith.constant 98000 : i32
    %add3A_39 = arith.addi %mul3A_2, %add3A_38 : i32
    %dma_wait3A_40 = tpu.memref_slice %arg8[%add3A_39] : memref<3200000xf32, #tpu.memory_space<hbm>> -> memref<2000xf32, #tpu.memory_space<hbm>>
    %dma_wait3A_41 = tpu.memref_slice %arg8[%add3A_39] : memref<3200000xf32, #tpu.memory_space<hbm>> -> memref<2000xf32, #tpu.memory_space<hbm>>
    tpu.wait_dma2 semaphore(%arg30 : memref<!tpu.dma_semaphore, #tpu.memory_space<semaphore_mem>>) src(%arg25 : memref<2000xf32, #tpu.memory_space<vmem>>) dst(%dma_wait3A_41 : memref<2000xf32, #tpu.memory_space<hbm>>)
    "tpu.region"() ({
      %run_scoped3A = tpu.sem_alloc : memref<!tpu.dma_semaphore, #tpu.memory_space<semaphore_mem>>
      tpu.enqueue_dma source(%arg4 : memref<100000xf32, #tpu.memory_space<hbm>>) target(%arg13 : memref<100000xf32, #tpu.memory_space<vmem>>) target_semaphore(%run_scoped3A : memref<!tpu.dma_semaphore, #tpu.memory_space<semaphore_mem>>)
      tpu.wait_dma2 semaphore(%run_scoped3A : memref<!tpu.dma_semaphore, #tpu.memory_space<semaphore_mem>>) src(%arg4 : memref<100000xf32, #tpu.memory_space<hbm>>) dst(%arg13 : memref<100000xf32, #tpu.memory_space<vmem>>)
      tpu.yield
    }) : () -> ()
    %add3A_42 = arith.constant 0 : i32
    %add3A_43 = arith.addi %mul3A_2, %add3A_42 : i32
    %dma_start3A_44 = tpu.memref_slice %arg5[%add3A_43] : memref<3200000xi32, #tpu.memory_space<hbm>> -> memref<2000xi32, #tpu.memory_space<hbm>>
    %dma_start3A_45 = tpu.memref_slice %arg5[%add3A_43] : memref<3200000xi32, #tpu.memory_space<hbm>> -> memref<2000xi32, #tpu.memory_space<hbm>>
    tpu.enqueue_dma source(%dma_start3A_45 : memref<2000xi32, #tpu.memory_space<hbm>>) target(%arg14 : memref<2000xi32, #tpu.memory_space<vmem>>) target_semaphore(%arg26 : memref<!tpu.dma_semaphore, #tpu.memory_space<semaphore_mem>>)
    %dma_start3A_46 = tpu.memref_slice %arg6[%add3A_43] : memref<3200000xi32, #tpu.memory_space<hbm>> -> memref<2000xi32, #tpu.memory_space<hbm>>
    %dma_start3A_47 = tpu.memref_slice %arg6[%add3A_43] : memref<3200000xi32, #tpu.memory_space<hbm>> -> memref<2000xi32, #tpu.memory_space<hbm>>
    tpu.enqueue_dma source(%dma_start3A_47 : memref<2000xi32, #tpu.memory_space<hbm>>) target(%arg15 : memref<2000xi32, #tpu.memory_space<vmem>>) target_semaphore(%arg26 : memref<!tpu.dma_semaphore, #tpu.memory_space<semaphore_mem>>)
    %add3A_48 = arith.constant 0 : i32
    %add3A_49 = arith.addi %mul3A_2, %add3A_48 : i32
    %dma_start3A_50 = tpu.memref_slice %arg7[%add3A_49] : memref<3200000xf32, #tpu.memory_space<hbm>> -> memref<2000xf32, #tpu.memory_space<hbm>>
    %dma_start3A_51 = tpu.memref_slice %arg7[%add3A_49] : memref<3200000xf32, #tpu.memory_space<hbm>> -> memref<2000xf32, #tpu.memory_space<hbm>>
    tpu.enqueue_dma source(%dma_start3A_51 : memref<2000xf32, #tpu.memory_space<hbm>>) target(%arg18 : memref<2000xf32, #tpu.memory_space<vmem>>) target_semaphore(%arg28 : memref<!tpu.dma_semaphore, #tpu.memory_space<semaphore_mem>>)
    %dma_start3A_52 = tpu.memref_slice %arg8[%add3A_49] : memref<3200000xf32, #tpu.memory_space<hbm>> -> memref<2000xf32, #tpu.memory_space<hbm>>
    %dma_start3A_53 = tpu.memref_slice %arg8[%add3A_49] : memref<3200000xf32, #tpu.memory_space<hbm>> -> memref<2000xf32, #tpu.memory_space<hbm>>
    tpu.enqueue_dma source(%dma_start3A_53 : memref<2000xf32, #tpu.memory_space<hbm>>) target(%arg19 : memref<2000xf32, #tpu.memory_space<vmem>>) target_semaphore(%arg28 : memref<!tpu.dma_semaphore, #tpu.memory_space<semaphore_mem>>)
    %scan3A_54 = arith.constant 0 : i32
    %scan3A_55 = arith.constant 0 : i32
    %scan3A_56 = arith.constant 25 : i32
    %scan3A_57 = arith.addi %scan3A_55, %scan3A_56 : i32
    %scan3A_58 = arith.constant 1 : i32
    %scan3A_59 = scf.for %scan3A_71 = %scan3A_55 to %scan3A_57 step %scan3A_58 iter_args(%scan3A_72 = %scan3A_54) -> (i32)  : i32 {
      %mul3A_73 = arith.constant 2 : i32
      %mul3A_74 = arith.muli %mul3A_73, %scan3A_71 : i32
      %add3A_75 = arith.constant 1 : i32
      %add3A_76 = arith.addi %mul3A_74, %add3A_75 : i32
      %mul3A_77 = arith.constant 2000 : i32
      %mul3A_78 = arith.muli %add3A_76, %mul3A_77 : i32
      %add3A_79 = arith.addi %mul3A_2, %mul3A_78 : i32
      %dma_start3A_80 = tpu.memref_slice %arg5[%add3A_79] : memref<3200000xi32, #tpu.memory_space<hbm>> -> memref<2000xi32, #tpu.memory_space<hbm>>
      %dma_start3A_81 = tpu.memref_slice %arg5[%add3A_79] : memref<3200000xi32, #tpu.memory_space<hbm>> -> memref<2000xi32, #tpu.memory_space<hbm>>
      tpu.enqueue_dma source(%dma_start3A_81 : memref<2000xi32, #tpu.memory_space<hbm>>) target(%arg16 : memref<2000xi32, #tpu.memory_space<vmem>>) target_semaphore(%arg27 : memref<!tpu.dma_semaphore, #tpu.memory_space<semaphore_mem>>)
      %dma_start3A_82 = tpu.memref_slice %arg6[%add3A_79] : memref<3200000xi32, #tpu.memory_space<hbm>> -> memref<2000xi32, #tpu.memory_space<hbm>>
      %dma_start3A_83 = tpu.memref_slice %arg6[%add3A_79] : memref<3200000xi32, #tpu.memory_space<hbm>> -> memref<2000xi32, #tpu.memory_space<hbm>>
      tpu.enqueue_dma source(%dma_start3A_83 : memref<2000xi32, #tpu.memory_space<hbm>>) target(%arg17 : memref<2000xi32, #tpu.memory_space<vmem>>) target_semaphore(%arg27 : memref<!tpu.dma_semaphore, #tpu.memory_space<semaphore_mem>>)
      %mul3A_84 = arith.constant 2000 : i32
      %mul3A_85 = arith.muli %add3A_76, %mul3A_84 : i32
      %add3A_86 = arith.addi %mul3A_2, %mul3A_85 : i32
      %dma_start3A_87 = tpu.memref_slice %arg7[%add3A_86] : memref<3200000xf32, #tpu.memory_space<hbm>> -> memref<2000xf32, #tpu.memory_space<hbm>>
      %dma_start3A_88 = tpu.memref_slice %arg7[%add3A_86] : memref<3200000xf32, #tpu.memory_space<hbm>> -> memref<2000xf32, #tpu.memory_space<hbm>>
      tpu.enqueue_dma source(%dma_start3A_88 : memref<2000xf32, #tpu.memory_space<hbm>>) target(%arg20 : memref<2000xf32, #tpu.memory_space<vmem>>) target_semaphore(%arg29 : memref<!tpu.dma_semaphore, #tpu.memory_space<semaphore_mem>>)
      %dma_start3A_89 = tpu.memref_slice %arg8[%add3A_86] : memref<3200000xf32, #tpu.memory_space<hbm>> -> memref<2000xf32, #tpu.memory_space<hbm>>
      %dma_start3A_90 = tpu.memref_slice %arg8[%add3A_86] : memref<3200000xf32, #tpu.memory_space<hbm>> -> memref<2000xf32, #tpu.memory_space<hbm>>
      tpu.enqueue_dma source(%dma_start3A_90 : memref<2000xf32, #tpu.memory_space<hbm>>) target(%arg21 : memref<2000xf32, #tpu.memory_space<vmem>>) target_semaphore(%arg29 : memref<!tpu.dma_semaphore, #tpu.memory_space<semaphore_mem>>)
      %dma_wait3A_91 = arith.constant 0 : i32
      %dma_wait3A_92 = tpu.memref_slice %arg5[%dma_wait3A_91] : memref<3200000xi32, #tpu.memory_space<hbm>> -> memref<2000xi32, #tpu.memory_space<hbm>>
      %dma_wait3A_93 = arith.constant 0 : i32
      %dma_wait3A_94 = tpu.memref_slice %arg5[%dma_wait3A_93] : memref<3200000xi32, #tpu.memory_space<hbm>> -> memref<2000xi32, #tpu.memory_space<hbm>>
      tpu.wait_dma2 semaphore(%arg26 : memref<!tpu.dma_semaphore, #tpu.memory_space<semaphore_mem>>) src(%dma_wait3A_94 : memref<2000xi32, #tpu.memory_space<hbm>>) dst(%arg14 : memref<2000xi32, #tpu.memory_space<vmem>>)
      %dma_wait3A_95 = arith.constant 0 : i32
      %dma_wait3A_96 = tpu.memref_slice %arg5[%dma_wait3A_95] : memref<3200000xi32, #tpu.memory_space<hbm>> -> memref<2000xi32, #tpu.memory_space<hbm>>
      %dma_wait3A_97 = arith.constant 0 : i32
      %dma_wait3A_98 = tpu.memref_slice %arg5[%dma_wait3A_97] : memref<3200000xi32, #tpu.memory_space<hbm>> -> memref<2000xi32, #tpu.memory_space<hbm>>
      tpu.wait_dma2 semaphore(%arg26 : memref<!tpu.dma_semaphore, #tpu.memory_space<semaphore_mem>>) src(%dma_wait3A_98 : memref<2000xi32, #tpu.memory_space<hbm>>) dst(%arg15 : memref<2000xi32, #tpu.memory_space<vmem>>)
      %dma_wait3A_99 = arith.constant 0 : i32
      %dma_wait3A_100 = tpu.memref_slice %arg7[%dma_wait3A_99] : memref<3200000xf32, #tpu.memory_space<hbm>> -> memref<2000xf32, #tpu.memory_space<hbm>>
      %dma_wait3A_101 = arith.constant 0 : i32
      %dma_wait3A_102 = tpu.memref_slice %arg7[%dma_wait3A_101] : memref<3200000xf32, #tpu.memory_space<hbm>> -> memref<2000xf32, #tpu.memory_space<hbm>>
      tpu.wait_dma2 semaphore(%arg28 : memref<!tpu.dma_semaphore, #tpu.memory_space<semaphore_mem>>) src(%dma_wait3A_102 : memref<2000xf32, #tpu.memory_space<hbm>>) dst(%arg18 : memref<2000xf32, #tpu.memory_space<vmem>>)
      %dma_wait3A_103 = arith.constant 0 : i32
      %dma_wait3A_104 = tpu.memref_slice %arg7[%dma_wait3A_103] : memref<3200000xf32, #tpu.memory_space<hbm>> -> memref<2000xf32, #tpu.memory_space<hbm>>
      %dma_wait3A_105 = arith.constant 0 : i32
      %dma_wait3A_106 = tpu.memref_slice %arg7[%dma_wait3A_105] : memref<3200000xf32, #tpu.memory_space<hbm>> -> memref<2000xf32, #tpu.memory_space<hbm>>
      tpu.wait_dma2 semaphore(%arg28 : memref<!tpu.dma_semaphore, #tpu.memory_space<semaphore_mem>>) src(%dma_wait3A_106 : memref<2000xf32, #tpu.memory_space<hbm>>) dst(%arg19 : memref<2000xf32, #tpu.memory_space<vmem>>)
      %gt3A = arith.constant 0 : i32
      %gt3A_107 = arith.cmpi sgt, %scan3A_71, %gt3A : i32
      %convert_element_type3A = arith.extui %gt3A_107 : i1 to i32
      %cond3A = arith.constant 0 : i32
      %cond3A_108 = arith.cmpi ne, %convert_element_type3A, %cond3A : i32
      scf.if %cond3A_108 {
        %sub3A = arith.constant 1 : i32
        %sub3A_170 = arith.subi %mul3A_74, %sub3A : i32
        %mul3A_171 = arith.constant 2000 : i32
        %mul3A_172 = arith.muli %sub3A_170, %mul3A_171 : i32
        %add3A_173 = arith.addi %mul3A_2, %mul3A_172 : i32
        %dma_wait3A_174 = tpu.memref_slice %arg9[%add3A_173] : memref<3200000xf32, #tpu.memory_space<hbm>> -> memref<2000xf32, #tpu.memory_space<hbm>>
        %dma_wait3A_175 = tpu.memref_slice %arg9[%add3A_173] : memref<3200000xf32, #tpu.memory_space<hbm>> -> memref<2000xf32, #tpu.memory_space<hbm>>
        tpu.wait_dma2 semaphore(%arg30 : memref<!tpu.dma_semaphore, #tpu.memory_space<semaphore_mem>>) src(%arg25 : memref<2000xf32, #tpu.memory_space<vmem>>) dst(%dma_wait3A_175 : memref<2000xf32, #tpu.memory_space<hbm>>)
        %dma_wait3A_176 = tpu.memref_slice %arg10[%add3A_173] : memref<3200000xf32, #tpu.memory_space<hbm>> -> memref<2000xf32, #tpu.memory_space<hbm>>
        %dma_wait3A_177 = tpu.memref_slice %arg10[%add3A_173] : memref<3200000xf32, #tpu.memory_space<hbm>> -> memref<2000xf32, #tpu.memory_space<hbm>>
        tpu.wait_dma2 semaphore(%arg30 : memref<!tpu.dma_semaphore, #tpu.memory_space<semaphore_mem>>) src(%arg22 : memref<2000xf32, #tpu.memory_space<vmem>>) dst(%dma_wait3A_177 : memref<2000xf32, #tpu.memory_space<hbm>>)
        %dma_wait3A_178 = tpu.memref_slice %arg11[%add3A_173] : memref<3200000xf32, #tpu.memory_space<hbm>> -> memref<2000xf32, #tpu.memory_space<hbm>>
        %dma_wait3A_179 = tpu.memref_slice %arg11[%add3A_173] : memref<3200000xf32, #tpu.memory_space<hbm>> -> memref<2000xf32, #tpu.memory_space<hbm>>
        tpu.wait_dma2 semaphore(%arg30 : memref<!tpu.dma_semaphore, #tpu.memory_space<semaphore_mem>>) src(%arg23 : memref<2000xf32, #tpu.memory_space<vmem>>) dst(%dma_wait3A_179 : memref<2000xf32, #tpu.memory_space<hbm>>)
        %dma_wait3A_180 = tpu.memref_slice %arg12[%add3A_173] : memref<3200000xi32, #tpu.memory_space<hbm>> -> memref<2000xi32, #tpu.memory_space<hbm>>
        %dma_wait3A_181 = tpu.memref_slice %arg12[%add3A_173] : memref<3200000xi32, #tpu.memory_space<hbm>> -> memref<2000xi32, #tpu.memory_space<hbm>>
        tpu.wait_dma2 semaphore(%arg30 : memref<!tpu.dma_semaphore, #tpu.memory_space<semaphore_mem>>) src(%arg24 : memref<2000xi32, #tpu.memory_space<vmem>>) dst(%dma_wait3A_181 : memref<2000xi32, #tpu.memory_space<hbm>>)
      } else {
      }
      %mul3A_109 = arith.constant 2000 : i32
      %mul3A_110 = arith.muli %mul3A_74, %mul3A_109 : i32
      %add3A_111 = arith.addi %mul3A_2, %mul3A_110 : i32
      %parallel_loop3A = arith.constant 0 : i32
      %parallel_loop3A_112 = arith.constant 2000 : i32
      %parallel_loop3A_113 = arith.constant 16 : i32
      scf.for %parallel_loop3A_170 = %parallel_loop3A to %parallel_loop3A_112 step %parallel_loop3A_113  : i32 {
        %parallel_loop3A_171 = arith.index_cast %parallel_loop3A_170 : i32 to index
        %parallel_loop3A_172 = tpu.vector_load %arg14[%parallel_loop3A_171] {strides = array<i32>} : memref<2000xi32, #tpu.memory_space<vmem>>, vector<16xi32>,
        %parallel_loop3A_173 = tpu.vector_load_idx %arg13[%parallel_loop3A_172] : memref<100000xf32, #tpu.memory_space<vmem>>[vector<16xi32>], vector<16xf32>,
        %parallel_loop3A_174 = arith.index_cast %parallel_loop3A_170 : i32 to index
        %parallel_loop3A_175 = tpu.vector_load %arg15[%parallel_loop3A_174] {strides = array<i32>} : memref<2000xi32, #tpu.memory_space<vmem>>, vector<16xi32>,
        %parallel_loop3A_176 = tpu.vector_load_idx %arg13[%parallel_loop3A_175] : memref<100000xf32, #tpu.memory_space<vmem>>[vector<16xi32>], vector<16xf32>,
        %parallel_loop3A_177 = arith.subf %parallel_loop3A_176, %parallel_loop3A_173 : vector<16xf32>
        %parallel_loop3A_178 = arith.index_cast %parallel_loop3A_170 : i32 to index
        %parallel_loop3A_179 = tpu.vector_load %arg18[%parallel_loop3A_178] {strides = array<i32>} : memref<2000xf32, #tpu.memory_space<vmem>>, vector<16xf32>,
        %parallel_loop3A_180 = arith.index_cast %parallel_loop3A_170 : i32 to index
        %parallel_loop3A_181 = tpu.vector_load %arg19[%parallel_loop3A_180] {strides = array<i32>} : memref<2000xf32, #tpu.memory_space<vmem>>, vector<16xf32>,
        %parallel_loop3A_182 = arith.mulf %parallel_loop3A_179, %parallel_loop3A_179 : vector<16xf32>
        %parallel_loop3A_183 = arith.mulf %parallel_loop3A_181, %parallel_loop3A_181 : vector<16xf32>
        %parallel_loop3A_184 = arith.addf %parallel_loop3A_182, %parallel_loop3A_183 : vector<16xf32>
        %parallel_loop3A_185 = arith.mulf %parallel_loop3A_177, %parallel_loop3A_177 : vector<16xf32>
        %parallel_loop3A_186 = arith.addf %parallel_loop3A_184, %parallel_loop3A_185 : vector<16xf32>
        %parallel_loop3A_187 = arith.constant 9.99999996E-13 : f32
        %parallel_loop3A_188 = vector.broadcast %parallel_loop3A_187 : f32 to vector<16xf32>
        %parallel_loop3A_189 = arith.maximumf %parallel_loop3A_186, %parallel_loop3A_188 : vector<16xf32>
        %parallel_loop3A_190 = vector.bitcast %parallel_loop3A_189 : vector<16xf32> to vector<16xi32>
        %parallel_loop3A_191 = arith.constant 1 : i32
        %parallel_loop3A_192 = vector.broadcast %parallel_loop3A_191 : i32 to vector<16xi32>
        %parallel_loop3A_193 = arith.shrsi %parallel_loop3A_190, %parallel_loop3A_192 : vector<16xi32>
        %parallel_loop3A_194 = arith.constant 1597463007 : i32
        %parallel_loop3A_195 = vector.broadcast %parallel_loop3A_194 : i32 to vector<16xi32>
        %parallel_loop3A_196 = arith.subi %parallel_loop3A_195, %parallel_loop3A_193 : vector<16xi32>
        %parallel_loop3A_197 = vector.bitcast %parallel_loop3A_196 : vector<16xi32> to vector<16xf32>
        %parallel_loop3A_198 = arith.constant 5.000000e-01 : f32
        %parallel_loop3A_199 = vector.broadcast %parallel_loop3A_198 : f32 to vector<16xf32>
        %parallel_loop3A_200 = arith.mulf %parallel_loop3A_199, %parallel_loop3A_189 : vector<16xf32>
        %parallel_loop3A_201 = arith.mulf %parallel_loop3A_200, %parallel_loop3A_197 : vector<16xf32>
        %parallel_loop3A_202 = arith.mulf %parallel_loop3A_201, %parallel_loop3A_197 : vector<16xf32>
        %parallel_loop3A_203 = arith.constant 1.500000e+00 : f32
        %parallel_loop3A_204 = vector.broadcast %parallel_loop3A_203 : f32 to vector<16xf32>
        %parallel_loop3A_205 = arith.subf %parallel_loop3A_204, %parallel_loop3A_202 : vector<16xf32>
        %parallel_loop3A_206 = arith.mulf %parallel_loop3A_197, %parallel_loop3A_205 : vector<16xf32>
        %parallel_loop3A_207 = arith.constant 5.000000e-01 : f32
        %parallel_loop3A_208 = vector.broadcast %parallel_loop3A_207 : f32 to vector<16xf32>
        %parallel_loop3A_209 = arith.mulf %parallel_loop3A_208, %parallel_loop3A_189 : vector<16xf32>
        %parallel_loop3A_210 = arith.mulf %parallel_loop3A_209, %parallel_loop3A_206 : vector<16xf32>
        %parallel_loop3A_211 = arith.mulf %parallel_loop3A_210, %parallel_loop3A_206 : vector<16xf32>
        %parallel_loop3A_212 = arith.constant 1.500000e+00 : f32
        %parallel_loop3A_213 = vector.broadcast %parallel_loop3A_212 : f32 to vector<16xf32>
        %parallel_loop3A_214 = arith.subf %parallel_loop3A_213, %parallel_loop3A_211 : vector<16xf32>
        %parallel_loop3A_215 = arith.mulf %parallel_loop3A_206, %parallel_loop3A_214 : vector<16xf32>
        %parallel_loop3A_216 = arith.mulf %parallel_loop3A_189, %parallel_loop3A_215 : vector<16xf32>
        %parallel_loop3A_217 = arith.constant 24.9999981 : f32
        %parallel_loop3A_218 = vector.broadcast %parallel_loop3A_217 : f32 to vector<16xf32>
        %parallel_loop3A_219 = arith.cmpf olt, %parallel_loop3A_189, %parallel_loop3A_218 : vector<16xf32>
        %parallel_loop3A_220 = arith.constant 4.000000e-02 : f32
        %parallel_loop3A_221 = vector.broadcast %parallel_loop3A_220 : f32 to vector<16xf32>
        %parallel_loop3A_222 = arith.mulf %parallel_loop3A_189, %parallel_loop3A_221 : vector<16xf32>
        %parallel_loop3A_223 = arith.constant 1.000000e+00 : f32
        %parallel_loop3A_224 = vector.broadcast %parallel_loop3A_223 : f32 to vector<16xf32>
        %parallel_loop3A_225 = arith.minimumf %parallel_loop3A_222, %parallel_loop3A_224 : vector<16xf32>
        %parallel_loop3A_226 = arith.constant -0.0102871349 : f32
        %parallel_loop3A_227 = vector.broadcast %parallel_loop3A_226 : f32 to vector<16xf32>
        %parallel_loop3A_228 = arith.mulf %parallel_loop3A_227, %parallel_loop3A_225 : vector<16xf32>
        %parallel_loop3A_229 = arith.constant 0.114794314 : f32
        %parallel_loop3A_230 = vector.broadcast %parallel_loop3A_229 : f32 to vector<16xf32>
        %parallel_loop3A_231 = arith.addf %parallel_loop3A_228, %parallel_loop3A_230 : vector<16xf32>
        %parallel_loop3A_232 = arith.mulf %parallel_loop3A_231, %parallel_loop3A_225 : vector<16xf32>
        %parallel_loop3A_233 = arith.constant -0.666126906 : f32
        %parallel_loop3A_234 = vector.broadcast %parallel_loop3A_233 : f32 to vector<16xf32>
        %parallel_loop3A_235 = arith.addf %parallel_loop3A_232, %parallel_loop3A_234 : vector<16xf32>
        %parallel_loop3A_236 = arith.mulf %parallel_loop3A_235, %parallel_loop3A_225 : vector<16xf32>
        %parallel_loop3A_237 = arith.constant 2.02898383 : f32
        %parallel_loop3A_238 = vector.broadcast %parallel_loop3A_237 : f32 to vector<16xf32>
        %parallel_loop3A_239 = arith.addf %parallel_loop3A_236, %parallel_loop3A_238 : vector<16xf32>
        %parallel_loop3A_240 = arith.mulf %parallel_loop3A_239, %parallel_loop3A_225 : vector<16xf32>
        %parallel_loop3A_241 = arith.constant -2.46736407 : f32
        %parallel_loop3A_242 = vector.broadcast %parallel_loop3A_241 : f32 to vector<16xf32>
        %parallel_loop3A_243 = arith.addf %parallel_loop3A_240, %parallel_loop3A_242 : vector<16xf32>
        %parallel_loop3A_244 = arith.mulf %parallel_loop3A_243, %parallel_loop3A_225 : vector<16xf32>
        %parallel_loop3A_245 = arith.constant 0.999999105 : f32
        %parallel_loop3A_246 = vector.broadcast %parallel_loop3A_245 : f32 to vector<16xf32>
        %parallel_loop3A_247 = arith.addf %parallel_loop3A_244, %parallel_loop3A_246 : vector<16xf32>
        %parallel_loop3A_248 = arith.index_cast %parallel_loop3A_170 : i32 to index
        %parallel_loop3A_249 = tpu.vector_load %arg25[%parallel_loop3A_248] {strides = array<i32>} : memref<2000xf32, #tpu.memory_space<vmem>>, vector<16xf32>,
        tpu.vector_store %arg25[%parallel_loop3A_248], %parallel_loop3A_177 {strides = array<i32>} : memref<2000xf32, #tpu.memory_space<vmem>>, vector<16xf32>,
        %parallel_loop3A_250 = arith.index_cast %parallel_loop3A_170 : i32 to index
        %parallel_loop3A_251 = tpu.vector_load %arg22[%parallel_loop3A_250] {strides = array<i32>} : memref<2000xf32, #tpu.memory_space<vmem>>, vector<16xf32>,
        tpu.vector_store %arg22[%parallel_loop3A_250], %parallel_loop3A_216 {strides = array<i32>} : memref<2000xf32, #tpu.memory_space<vmem>>, vector<16xf32>,
        %parallel_loop3A_252 = arith.constant 0.000000e+00 : f32
        %parallel_loop3A_253 = vector.broadcast %parallel_loop3A_252 : f32 to vector<16xf32>
        %parallel_loop3A_254 = arith.select %parallel_loop3A_219, %parallel_loop3A_247, %parallel_loop3A_253 : vector<16xi1>, vector<16xf32>
        %parallel_loop3A_255 = arith.index_cast %parallel_loop3A_170 : i32 to index
        %parallel_loop3A_256 = tpu.vector_load %arg23[%parallel_loop3A_255] {strides = array<i32>} : memref<2000xf32, #tpu.memory_space<vmem>>, vector<16xf32>,
        tpu.vector_store %arg23[%parallel_loop3A_255], %parallel_loop3A_254 {strides = array<i32>} : memref<2000xf32, #tpu.memory_space<vmem>>, vector<16xf32>,
        %parallel_loop3A_257 = arith.constant 1 : i32
        %parallel_loop3A_258 = arith.constant 0 : i32
        %parallel_loop3A_259 = vector.broadcast %parallel_loop3A_257 : i32 to vector<16xi32>
        %parallel_loop3A_260 = vector.broadcast %parallel_loop3A_258 : i32 to vector<16xi32>
        %parallel_loop3A_261 = arith.select %parallel_loop3A_219, %parallel_loop3A_259, %parallel_loop3A_260 : vector<16xi1>, vector<16xi32>
        %parallel_loop3A_262 = arith.index_cast %parallel_loop3A_170 : i32 to index
        %parallel_loop3A_263 = tpu.vector_load %arg24[%parallel_loop3A_262] {strides = array<i32>} : memref<2000xi32, #tpu.memory_space<vmem>>, vector<16xi32>,
        tpu.vector_store %arg24[%parallel_loop3A_262], %parallel_loop3A_261 {strides = array<i32>} : memref<2000xi32, #tpu.memory_space<vmem>>, vector<16xi32>,
      } {sc.loop_unroll_factor = 4 : i64, sc.parallel_access}
      %dma_start3A_114 = tpu.memref_slice %arg9[%add3A_111] : memref<3200000xf32, #tpu.memory_space<hbm>> -> memref<2000xf32, #tpu.memory_space<hbm>>
      %dma_start3A_115 = tpu.memref_slice %arg9[%add3A_111] : memref<3200000xf32, #tpu.memory_space<hbm>> -> memref<2000xf32, #tpu.memory_space<hbm>>
      tpu.enqueue_dma source(%arg25 : memref<2000xf32, #tpu.memory_space<vmem>>) target(%dma_start3A_115 : memref<2000xf32, #tpu.memory_space<hbm>>) target_semaphore(%arg30 : memref<!tpu.dma_semaphore, #tpu.memory_space<semaphore_mem>>)
      %dma_start3A_116 = tpu.memref_slice %arg10[%add3A_111] : memref<3200000xf32, #tpu.memory_space<hbm>> -> memref<2000xf32, #tpu.memory_space<hbm>>
      %dma_start3A_117 = tpu.memref_slice %arg10[%add3A_111] : memref<3200000xf32, #tpu.memory_space<hbm>> -> memref<2000xf32, #tpu.memory_space<hbm>>
      tpu.enqueue_dma source(%arg22 : memref<2000xf32, #tpu.memory_space<vmem>>) target(%dma_start3A_117 : memref<2000xf32, #tpu.memory_space<hbm>>) target_semaphore(%arg30 : memref<!tpu.dma_semaphore, #tpu.memory_space<semaphore_mem>>)
      %dma_start3A_118 = tpu.memref_slice %arg11[%add3A_111] : memref<3200000xf32, #tpu.memory_space<hbm>> -> memref<2000xf32, #tpu.memory_space<hbm>>
      %dma_start3A_119 = tpu.memref_slice %arg11[%add3A_111] : memref<3200000xf32, #tpu.memory_space<hbm>> -> memref<2000xf32, #tpu.memory_space<hbm>>
      tpu.enqueue_dma source(%arg23 : memref<2000xf32, #tpu.memory_space<vmem>>) target(%dma_start3A_119 : memref<2000xf32, #tpu.memory_space<hbm>>) target_semaphore(%arg30 : memref<!tpu.dma_semaphore, #tpu.memory_space<semaphore_mem>>)
      %dma_start3A_120 = tpu.memref_slice %arg12[%add3A_111] : memref<3200000xi32, #tpu.memory_space<hbm>> -> memref<2000xi32, #tpu.memory_space<hbm>>
      %dma_start3A_121 = tpu.memref_slice %arg12[%add3A_111] : memref<3200000xi32, #tpu.memory_space<hbm>> -> memref<2000xi32, #tpu.memory_space<hbm>>
      tpu.enqueue_dma source(%arg24 : memref<2000xi32, #tpu.memory_space<vmem>>) target(%dma_start3A_121 : memref<2000xi32, #tpu.memory_space<hbm>>) target_semaphore(%arg30 : memref<!tpu.dma_semaphore, #tpu.memory_space<semaphore_mem>>)
      %add3A_122 = arith.constant 2 : i32
      %add3A_123 = arith.addi %mul3A_74, %add3A_122 : i32
      %lt3A = arith.constant 50 : i32
      %lt3A_124 = arith.cmpi slt, %add3A_123, %lt3A : i32
      %convert_element_type3A_125 = arith.extui %lt3A_124 : i1 to i32
      %cond3A_126 = arith.constant 0 : i32
      %cond3A_127 = arith.cmpi ne, %convert_element_type3A_125, %cond3A_126 : i32
      scf.if %cond3A_127 {
        %add3A_170 = arith.constant 2 : i32
        %add3A_171 = arith.addi %mul3A_74, %add3A_170 : i32
        %mul3A_172 = arith.constant 2000 : i32
        %mul3A_173 = arith.muli %add3A_171, %mul3A_172 : i32
        %add3A_174 = arith.addi %mul3A_2, %mul3A_173 : i32
        %dma_start3A_175 = tpu.memref_slice %arg5[%add3A_174] : memref<3200000xi32, #tpu.memory_space<hbm>> -> memref<2000xi32, #tpu.memory_space<hbm>>
        %dma_start3A_176 = tpu.memref_slice %arg5[%add3A_174] : memref<3200000xi32, #tpu.memory_space<hbm>> -> memref<2000xi32, #tpu.memory_space<hbm>>
        tpu.enqueue_dma source(%dma_start3A_176 : memref<2000xi32, #tpu.memory_space<hbm>>) target(%arg14 : memref<2000xi32, #tpu.memory_space<vmem>>) target_semaphore(%arg26 : memref<!tpu.dma_semaphore, #tpu.memory_space<semaphore_mem>>)
        %dma_start3A_177 = tpu.memref_slice %arg6[%add3A_174] : memref<3200000xi32, #tpu.memory_space<hbm>> -> memref<2000xi32, #tpu.memory_space<hbm>>
        %dma_start3A_178 = tpu.memref_slice %arg6[%add3A_174] : memref<3200000xi32, #tpu.memory_space<hbm>> -> memref<2000xi32, #tpu.memory_space<hbm>>
        tpu.enqueue_dma source(%dma_start3A_178 : memref<2000xi32, #tpu.memory_space<hbm>>) target(%arg15 : memref<2000xi32, #tpu.memory_space<vmem>>) target_semaphore(%arg26 : memref<!tpu.dma_semaphore, #tpu.memory_space<semaphore_mem>>)
        %add3A_179 = arith.constant 2 : i32
        %add3A_180 = arith.addi %mul3A_74, %add3A_179 : i32
        %mul3A_181 = arith.constant 2000 : i32
        %mul3A_182 = arith.muli %add3A_180, %mul3A_181 : i32
        %add3A_183 = arith.addi %mul3A_2, %mul3A_182 : i32
        %dma_start3A_184 = tpu.memref_slice %arg7[%add3A_183] : memref<3200000xf32, #tpu.memory_space<hbm>> -> memref<2000xf32, #tpu.memory_space<hbm>>
        %dma_start3A_185 = tpu.memref_slice %arg7[%add3A_183] : memref<3200000xf32, #tpu.memory_space<hbm>> -> memref<2000xf32, #tpu.memory_space<hbm>>
        tpu.enqueue_dma source(%dma_start3A_185 : memref<2000xf32, #tpu.memory_space<hbm>>) target(%arg18 : memref<2000xf32, #tpu.memory_space<vmem>>) target_semaphore(%arg28 : memref<!tpu.dma_semaphore, #tpu.memory_space<semaphore_mem>>)
        %dma_start3A_186 = tpu.memref_slice %arg8[%add3A_183] : memref<3200000xf32, #tpu.memory_space<hbm>> -> memref<2000xf32, #tpu.memory_space<hbm>>
        %dma_start3A_187 = tpu.memref_slice %arg8[%add3A_183] : memref<3200000xf32, #tpu.memory_space<hbm>> -> memref<2000xf32, #tpu.memory_space<hbm>>
        tpu.enqueue_dma source(%dma_start3A_187 : memref<2000xf32, #tpu.memory_space<hbm>>) target(%arg19 : memref<2000xf32, #tpu.memory_space<vmem>>) target_semaphore(%arg28 : memref<!tpu.dma_semaphore, #tpu.memory_space<semaphore_mem>>)
      } else {
      }
      %dma_wait3A_128 = arith.constant 0 : i32
      %dma_wait3A_129 = tpu.memref_slice %arg5[%dma_wait3A_128] : memref<3200000xi32, #tpu.memory_space<hbm>> -> memref<2000xi32, #tpu.memory_space<hbm>>
      %dma_wait3A_130 = arith.constant 0 : i32
      %dma_wait3A_131 = tpu.memref_slice %arg5[%dma_wait3A_130] : memref<3200000xi32, #tpu.memory_space<hbm>> -> memref<2000xi32, #tpu.memory_space<hbm>>
      tpu.wait_dma2 semaphore(%arg27 : memref<!tpu.dma_semaphore, #tpu.memory_space<semaphore_mem>>) src(%dma_wait3A_131 : memref<2000xi32, #tpu.memory_space<hbm>>) dst(%arg16 : memref<2000xi32, #tpu.memory_space<vmem>>)
      %dma_wait3A_132 = arith.constant 0 : i32
      %dma_wait3A_133 = tpu.memref_slice %arg5[%dma_wait3A_132] : memref<3200000xi32, #tpu.memory_space<hbm>> -> memref<2000xi32, #tpu.memory_space<hbm>>
      %dma_wait3A_134 = arith.constant 0 : i32
      %dma_wait3A_135 = tpu.memref_slice %arg5[%dma_wait3A_134] : memref<3200000xi32, #tpu.memory_space<hbm>> -> memref<2000xi32, #tpu.memory_space<hbm>>
      tpu.wait_dma2 semaphore(%arg27 : memref<!tpu.dma_semaphore, #tpu.memory_space<semaphore_mem>>) src(%dma_wait3A_135 : memref<2000xi32, #tpu.memory_space<hbm>>) dst(%arg17 : memref<2000xi32, #tpu.memory_space<vmem>>)
      %dma_wait3A_136 = arith.constant 0 : i32
      %dma_wait3A_137 = tpu.memref_slice %arg7[%dma_wait3A_136] : memref<3200000xf32, #tpu.memory_space<hbm>> -> memref<2000xf32, #tpu.memory_space<hbm>>
      %dma_wait3A_138 = arith.constant 0 : i32
      %dma_wait3A_139 = tpu.memref_slice %arg7[%dma_wait3A_138] : memref<3200000xf32, #tpu.memory_space<hbm>> -> memref<2000xf32, #tpu.memory_space<hbm>>
      tpu.wait_dma2 semaphore(%arg29 : memref<!tpu.dma_semaphore, #tpu.memory_space<semaphore_mem>>) src(%dma_wait3A_139 : memref<2000xf32, #tpu.memory_space<hbm>>) dst(%arg20 : memref<2000xf32, #tpu.memory_space<vmem>>)
      %dma_wait3A_140 = arith.constant 0 : i32
      %dma_wait3A_141 = tpu.memref_slice %arg7[%dma_wait3A_140] : memref<3200000xf32, #tpu.memory_space<hbm>> -> memref<2000xf32, #tpu.memory_space<hbm>>
      %dma_wait3A_142 = arith.constant 0 : i32
      %dma_wait3A_143 = tpu.memref_slice %arg7[%dma_wait3A_142] : memref<3200000xf32, #tpu.memory_space<hbm>> -> memref<2000xf32, #tpu.memory_space<hbm>>
      tpu.wait_dma2 semaphore(%arg29 : memref<!tpu.dma_semaphore, #tpu.memory_space<semaphore_mem>>) src(%dma_wait3A_143 : memref<2000xf32, #tpu.memory_space<hbm>>) dst(%arg21 : memref<2000xf32, #tpu.memory_space<vmem>>)
      %mul3A_144 = arith.constant 2000 : i32
      %mul3A_145 = arith.muli %mul3A_74, %mul3A_144 : i32
      %add3A_146 = arith.addi %mul3A_2, %mul3A_145 : i32
      %dma_wait3A_147 = tpu.memref_slice %arg9[%add3A_146] : memref<3200000xf32, #tpu.memory_space<hbm>> -> memref<2000xf32, #tpu.memory_space<hbm>>
      %dma_wait3A_148 = tpu.memref_slice %arg9[%add3A_146] : memref<3200000xf32, #tpu.memory_space<hbm>> -> memref<2000xf32, #tpu.memory_space<hbm>>
      tpu.wait_dma2 semaphore(%arg30 : memref<!tpu.dma_semaphore, #tpu.memory_space<semaphore_mem>>) src(%arg25 : memref<2000xf32, #tpu.memory_space<vmem>>) dst(%dma_wait3A_148 : memref<2000xf32, #tpu.memory_space<hbm>>)
      %dma_wait3A_149 = tpu.memref_slice %arg10[%add3A_146] : memref<3200000xf32, #tpu.memory_space<hbm>> -> memref<2000xf32, #tpu.memory_space<hbm>>
      %dma_wait3A_150 = tpu.memref_slice %arg10[%add3A_146] : memref<3200000xf32, #tpu.memory_space<hbm>> -> memref<2000xf32, #tpu.memory_space<hbm>>
      tpu.wait_dma2 semaphore(%arg30 : memref<!tpu.dma_semaphore, #tpu.memory_space<semaphore_mem>>) src(%arg22 : memref<2000xf32, #tpu.memory_space<vmem>>) dst(%dma_wait3A_150 : memref<2000xf32, #tpu.memory_space<hbm>>)
      %dma_wait3A_151 = tpu.memref_slice %arg11[%add3A_146] : memref<3200000xf32, #tpu.memory_space<hbm>> -> memref<2000xf32, #tpu.memory_space<hbm>>
      %dma_wait3A_152 = tpu.memref_slice %arg11[%add3A_146] : memref<3200000xf32, #tpu.memory_space<hbm>> -> memref<2000xf32, #tpu.memory_space<hbm>>
      tpu.wait_dma2 semaphore(%arg30 : memref<!tpu.dma_semaphore, #tpu.memory_space<semaphore_mem>>) src(%arg23 : memref<2000xf32, #tpu.memory_space<vmem>>) dst(%dma_wait3A_152 : memref<2000xf32, #tpu.memory_space<hbm>>)
      %dma_wait3A_153 = tpu.memref_slice %arg12[%add3A_146] : memref<3200000xi32, #tpu.memory_space<hbm>> -> memref<2000xi32, #tpu.memory_space<hbm>>
      %dma_wait3A_154 = tpu.memref_slice %arg12[%add3A_146] : memref<3200000xi32, #tpu.memory_space<hbm>> -> memref<2000xi32, #tpu.memory_space<hbm>>
      tpu.wait_dma2 semaphore(%arg30 : memref<!tpu.dma_semaphore, #tpu.memory_space<semaphore_mem>>) src(%arg24 : memref<2000xi32, #tpu.memory_space<vmem>>) dst(%dma_wait3A_154 : memref<2000xi32, #tpu.memory_space<hbm>>)
      %mul3A_155 = arith.constant 2000 : i32
      %mul3A_156 = arith.muli %add3A_76, %mul3A_155 : i32
      %add3A_157 = arith.addi %mul3A_2, %mul3A_156 : i32
      %parallel_loop3A_158 = arith.constant 0 : i32
      %parallel_loop3A_159 = arith.constant 2000 : i32
      %parallel_loop3A_160 = arith.constant 16 : i32
      scf.for %parallel_loop3A_170 = %parallel_loop3A_158 to %parallel_loop3A_159 step %parallel_loop3A_160  : i32 {
        %parallel_loop3A_171 = arith.index_cast %parallel_loop3A_170 : i32 to index
        %parallel_loop3A_172 = tpu.vector_load %arg16[%parallel_loop3A_171] {strides = array<i32>} : memref<2000xi32, #tpu.memory_space<vmem>>, vector<16xi32>,
        %parallel_loop3A_173 = tpu.vector_load_idx %arg13[%parallel_loop3A_172] : memref<100000xf32, #tpu.memory_space<vmem>>[vector<16xi32>], vector<16xf32>,
        %parallel_loop3A_174 = arith.index_cast %parallel_loop3A_170 : i32 to index
        %parallel_loop3A_175 = tpu.vector_load %arg17[%parallel_loop3A_174] {strides = array<i32>} : memref<2000xi32, #tpu.memory_space<vmem>>, vector<16xi32>,
        %parallel_loop3A_176 = tpu.vector_load_idx %arg13[%parallel_loop3A_175] : memref<100000xf32, #tpu.memory_space<vmem>>[vector<16xi32>], vector<16xf32>,
        %parallel_loop3A_177 = arith.subf %parallel_loop3A_176, %parallel_loop3A_173 : vector<16xf32>
        %parallel_loop3A_178 = arith.index_cast %parallel_loop3A_170 : i32 to index
        %parallel_loop3A_179 = tpu.vector_load %arg20[%parallel_loop3A_178] {strides = array<i32>} : memref<2000xf32, #tpu.memory_space<vmem>>, vector<16xf32>,
        %parallel_loop3A_180 = arith.index_cast %parallel_loop3A_170 : i32 to index
        %parallel_loop3A_181 = tpu.vector_load %arg21[%parallel_loop3A_180] {strides = array<i32>} : memref<2000xf32, #tpu.memory_space<vmem>>, vector<16xf32>,
        %parallel_loop3A_182 = arith.mulf %parallel_loop3A_179, %parallel_loop3A_179 : vector<16xf32>
        %parallel_loop3A_183 = arith.mulf %parallel_loop3A_181, %parallel_loop3A_181 : vector<16xf32>
        %parallel_loop3A_184 = arith.addf %parallel_loop3A_182, %parallel_loop3A_183 : vector<16xf32>
        %parallel_loop3A_185 = arith.mulf %parallel_loop3A_177, %parallel_loop3A_177 : vector<16xf32>
        %parallel_loop3A_186 = arith.addf %parallel_loop3A_184, %parallel_loop3A_185 : vector<16xf32>
        %parallel_loop3A_187 = arith.constant 9.99999996E-13 : f32
        %parallel_loop3A_188 = vector.broadcast %parallel_loop3A_187 : f32 to vector<16xf32>
        %parallel_loop3A_189 = arith.maximumf %parallel_loop3A_186, %parallel_loop3A_188 : vector<16xf32>
        %parallel_loop3A_190 = vector.bitcast %parallel_loop3A_189 : vector<16xf32> to vector<16xi32>
        %parallel_loop3A_191 = arith.constant 1 : i32
        %parallel_loop3A_192 = vector.broadcast %parallel_loop3A_191 : i32 to vector<16xi32>
        %parallel_loop3A_193 = arith.shrsi %parallel_loop3A_190, %parallel_loop3A_192 : vector<16xi32>
        %parallel_loop3A_194 = arith.constant 1597463007 : i32
        %parallel_loop3A_195 = vector.broadcast %parallel_loop3A_194 : i32 to vector<16xi32>
        %parallel_loop3A_196 = arith.subi %parallel_loop3A_195, %parallel_loop3A_193 : vector<16xi32>
        %parallel_loop3A_197 = vector.bitcast %parallel_loop3A_196 : vector<16xi32> to vector<16xf32>
        %parallel_loop3A_198 = arith.constant 5.000000e-01 : f32
        %parallel_loop3A_199 = vector.broadcast %parallel_loop3A_198 : f32 to vector<16xf32>
        %parallel_loop3A_200 = arith.mulf %parallel_loop3A_199, %parallel_loop3A_189 : vector<16xf32>
        %parallel_loop3A_201 = arith.mulf %parallel_loop3A_200, %parallel_loop3A_197 : vector<16xf32>
        %parallel_loop3A_202 = arith.mulf %parallel_loop3A_201, %parallel_loop3A_197 : vector<16xf32>
        %parallel_loop3A_203 = arith.constant 1.500000e+00 : f32
        %parallel_loop3A_204 = vector.broadcast %parallel_loop3A_203 : f32 to vector<16xf32>
        %parallel_loop3A_205 = arith.subf %parallel_loop3A_204, %parallel_loop3A_202 : vector<16xf32>
        %parallel_loop3A_206 = arith.mulf %parallel_loop3A_197, %parallel_loop3A_205 : vector<16xf32>
        %parallel_loop3A_207 = arith.constant 5.000000e-01 : f32
        %parallel_loop3A_208 = vector.broadcast %parallel_loop3A_207 : f32 to vector<16xf32>
        %parallel_loop3A_209 = arith.mulf %parallel_loop3A_208, %parallel_loop3A_189 : vector<16xf32>
        %parallel_loop3A_210 = arith.mulf %parallel_loop3A_209, %parallel_loop3A_206 : vector<16xf32>
        %parallel_loop3A_211 = arith.mulf %parallel_loop3A_210, %parallel_loop3A_206 : vector<16xf32>
        %parallel_loop3A_212 = arith.constant 1.500000e+00 : f32
        %parallel_loop3A_213 = vector.broadcast %parallel_loop3A_212 : f32 to vector<16xf32>
        %parallel_loop3A_214 = arith.subf %parallel_loop3A_213, %parallel_loop3A_211 : vector<16xf32>
        %parallel_loop3A_215 = arith.mulf %parallel_loop3A_206, %parallel_loop3A_214 : vector<16xf32>
        %parallel_loop3A_216 = arith.mulf %parallel_loop3A_189, %parallel_loop3A_215 : vector<16xf32>
        %parallel_loop3A_217 = arith.constant 24.9999981 : f32
        %parallel_loop3A_218 = vector.broadcast %parallel_loop3A_217 : f32 to vector<16xf32>
        %parallel_loop3A_219 = arith.cmpf olt, %parallel_loop3A_189, %parallel_loop3A_218 : vector<16xf32>
        %parallel_loop3A_220 = arith.constant 4.000000e-02 : f32
        %parallel_loop3A_221 = vector.broadcast %parallel_loop3A_220 : f32 to vector<16xf32>
        %parallel_loop3A_222 = arith.mulf %parallel_loop3A_189, %parallel_loop3A_221 : vector<16xf32>
        %parallel_loop3A_223 = arith.constant 1.000000e+00 : f32
        %parallel_loop3A_224 = vector.broadcast %parallel_loop3A_223 : f32 to vector<16xf32>
        %parallel_loop3A_225 = arith.minimumf %parallel_loop3A_222, %parallel_loop3A_224 : vector<16xf32>
        %parallel_loop3A_226 = arith.constant -0.0102871349 : f32
        %parallel_loop3A_227 = vector.broadcast %parallel_loop3A_226 : f32 to vector<16xf32>
        %parallel_loop3A_228 = arith.mulf %parallel_loop3A_227, %parallel_loop3A_225 : vector<16xf32>
        %parallel_loop3A_229 = arith.constant 0.114794314 : f32
        %parallel_loop3A_230 = vector.broadcast %parallel_loop3A_229 : f32 to vector<16xf32>
        %parallel_loop3A_231 = arith.addf %parallel_loop3A_228, %parallel_loop3A_230 : vector<16xf32>
        %parallel_loop3A_232 = arith.mulf %parallel_loop3A_231, %parallel_loop3A_225 : vector<16xf32>
        %parallel_loop3A_233 = arith.constant -0.666126906 : f32
        %parallel_loop3A_234 = vector.broadcast %parallel_loop3A_233 : f32 to vector<16xf32>
        %parallel_loop3A_235 = arith.addf %parallel_loop3A_232, %parallel_loop3A_234 : vector<16xf32>
        %parallel_loop3A_236 = arith.mulf %parallel_loop3A_235, %parallel_loop3A_225 : vector<16xf32>
        %parallel_loop3A_237 = arith.constant 2.02898383 : f32
        %parallel_loop3A_238 = vector.broadcast %parallel_loop3A_237 : f32 to vector<16xf32>
        %parallel_loop3A_239 = arith.addf %parallel_loop3A_236, %parallel_loop3A_238 : vector<16xf32>
        %parallel_loop3A_240 = arith.mulf %parallel_loop3A_239, %parallel_loop3A_225 : vector<16xf32>
        %parallel_loop3A_241 = arith.constant -2.46736407 : f32
        %parallel_loop3A_242 = vector.broadcast %parallel_loop3A_241 : f32 to vector<16xf32>
        %parallel_loop3A_243 = arith.addf %parallel_loop3A_240, %parallel_loop3A_242 : vector<16xf32>
        %parallel_loop3A_244 = arith.mulf %parallel_loop3A_243, %parallel_loop3A_225 : vector<16xf32>
        %parallel_loop3A_245 = arith.constant 0.999999105 : f32
        %parallel_loop3A_246 = vector.broadcast %parallel_loop3A_245 : f32 to vector<16xf32>
        %parallel_loop3A_247 = arith.addf %parallel_loop3A_244, %parallel_loop3A_246 : vector<16xf32>
        %parallel_loop3A_248 = arith.index_cast %parallel_loop3A_170 : i32 to index
        %parallel_loop3A_249 = tpu.vector_load %arg25[%parallel_loop3A_248] {strides = array<i32>} : memref<2000xf32, #tpu.memory_space<vmem>>, vector<16xf32>,
        tpu.vector_store %arg25[%parallel_loop3A_248], %parallel_loop3A_177 {strides = array<i32>} : memref<2000xf32, #tpu.memory_space<vmem>>, vector<16xf32>,
        %parallel_loop3A_250 = arith.index_cast %parallel_loop3A_170 : i32 to index
        %parallel_loop3A_251 = tpu.vector_load %arg22[%parallel_loop3A_250] {strides = array<i32>} : memref<2000xf32, #tpu.memory_space<vmem>>, vector<16xf32>,
        tpu.vector_store %arg22[%parallel_loop3A_250], %parallel_loop3A_216 {strides = array<i32>} : memref<2000xf32, #tpu.memory_space<vmem>>, vector<16xf32>,
        %parallel_loop3A_252 = arith.constant 0.000000e+00 : f32
        %parallel_loop3A_253 = vector.broadcast %parallel_loop3A_252 : f32 to vector<16xf32>
        %parallel_loop3A_254 = arith.select %parallel_loop3A_219, %parallel_loop3A_247, %parallel_loop3A_253 : vector<16xi1>, vector<16xf32>
        %parallel_loop3A_255 = arith.index_cast %parallel_loop3A_170 : i32 to index
        %parallel_loop3A_256 = tpu.vector_load %arg23[%parallel_loop3A_255] {strides = array<i32>} : memref<2000xf32, #tpu.memory_space<vmem>>, vector<16xf32>,
        tpu.vector_store %arg23[%parallel_loop3A_255], %parallel_loop3A_254 {strides = array<i32>} : memref<2000xf32, #tpu.memory_space<vmem>>, vector<16xf32>,
        %parallel_loop3A_257 = arith.constant 1 : i32
        %parallel_loop3A_258 = arith.constant 0 : i32
        %parallel_loop3A_259 = vector.broadcast %parallel_loop3A_257 : i32 to vector<16xi32>
        %parallel_loop3A_260 = vector.broadcast %parallel_loop3A_258 : i32 to vector<16xi32>
        %parallel_loop3A_261 = arith.select %parallel_loop3A_219, %parallel_loop3A_259, %parallel_loop3A_260 : vector<16xi1>, vector<16xi32>
        %parallel_loop3A_262 = arith.index_cast %parallel_loop3A_170 : i32 to index
        %parallel_loop3A_263 = tpu.vector_load %arg24[%parallel_loop3A_262] {strides = array<i32>} : memref<2000xi32, #tpu.memory_space<vmem>>, vector<16xi32>,
        tpu.vector_store %arg24[%parallel_loop3A_262], %parallel_loop3A_261 {strides = array<i32>} : memref<2000xi32, #tpu.memory_space<vmem>>, vector<16xi32>,
      } {sc.loop_unroll_factor = 4 : i64, sc.parallel_access}
      %dma_start3A_161 = tpu.memref_slice %arg9[%add3A_157] : memref<3200000xf32, #tpu.memory_space<hbm>> -> memref<2000xf32, #tpu.memory_space<hbm>>
      %dma_start3A_162 = tpu.memref_slice %arg9[%add3A_157] : memref<3200000xf32, #tpu.memory_space<hbm>> -> memref<2000xf32, #tpu.memory_space<hbm>>
      tpu.enqueue_dma source(%arg25 : memref<2000xf32, #tpu.memory_space<vmem>>) target(%dma_start3A_162 : memref<2000xf32, #tpu.memory_space<hbm>>) target_semaphore(%arg30 : memref<!tpu.dma_semaphore, #tpu.memory_space<semaphore_mem>>)
      %dma_start3A_163 = tpu.memref_slice %arg10[%add3A_157] : memref<3200000xf32, #tpu.memory_space<hbm>> -> memref<2000xf32, #tpu.memory_space<hbm>>
      %dma_start3A_164 = tpu.memref_slice %arg10[%add3A_157] : memref<3200000xf32, #tpu.memory_space<hbm>> -> memref<2000xf32, #tpu.memory_space<hbm>>
      tpu.enqueue_dma source(%arg22 : memref<2000xf32, #tpu.memory_space<vmem>>) target(%dma_start3A_164 : memref<2000xf32, #tpu.memory_space<hbm>>) target_semaphore(%arg30 : memref<!tpu.dma_semaphore, #tpu.memory_space<semaphore_mem>>)
      %dma_start3A_165 = tpu.memref_slice %arg11[%add3A_157] : memref<3200000xf32, #tpu.memory_space<hbm>> -> memref<2000xf32, #tpu.memory_space<hbm>>
      %dma_start3A_166 = tpu.memref_slice %arg11[%add3A_157] : memref<3200000xf32, #tpu.memory_space<hbm>> -> memref<2000xf32, #tpu.memory_space<hbm>>
      tpu.enqueue_dma source(%arg23 : memref<2000xf32, #tpu.memory_space<vmem>>) target(%dma_start3A_166 : memref<2000xf32, #tpu.memory_space<hbm>>) target_semaphore(%arg30 : memref<!tpu.dma_semaphore, #tpu.memory_space<semaphore_mem>>)
      %dma_start3A_167 = tpu.memref_slice %arg12[%add3A_157] : memref<3200000xi32, #tpu.memory_space<hbm>> -> memref<2000xi32, #tpu.memory_space<hbm>>
      %dma_start3A_168 = tpu.memref_slice %arg12[%add3A_157] : memref<3200000xi32, #tpu.memory_space<hbm>> -> memref<2000xi32, #tpu.memory_space<hbm>>
      tpu.enqueue_dma source(%arg24 : memref<2000xi32, #tpu.memory_space<vmem>>) target(%dma_start3A_168 : memref<2000xi32, #tpu.memory_space<hbm>>) target_semaphore(%arg30 : memref<!tpu.dma_semaphore, #tpu.memory_space<semaphore_mem>>)
      %scan3A_169 = arith.constant 0 : i32
      scf.yield %scan3A_169 : i32
    }
    %scan3A_60 = arith.constant 25 : i32
    %add3A_61 = arith.constant 98000 : i32
    %add3A_62 = arith.addi %mul3A_2, %add3A_61 : i32
    %dma_wait3A_63 = tpu.memref_slice %arg9[%add3A_62] : memref<3200000xf32, #tpu.memory_space<hbm>> -> memref<2000xf32, #tpu.memory_space<hbm>>
    %dma_wait3A_64 = tpu.memref_slice %arg9[%add3A_62] : memref<3200000xf32, #tpu.memory_space<hbm>> -> memref<2000xf32, #tpu.memory_space<hbm>>
    tpu.wait_dma2 semaphore(%arg30 : memref<!tpu.dma_semaphore, #tpu.memory_space<semaphore_mem>>) src(%arg25 : memref<2000xf32, #tpu.memory_space<vmem>>) dst(%dma_wait3A_64 : memref<2000xf32, #tpu.memory_space<hbm>>)
    %dma_wait3A_65 = tpu.memref_slice %arg10[%add3A_62] : memref<3200000xf32, #tpu.memory_space<hbm>> -> memref<2000xf32, #tpu.memory_space<hbm>>
    %dma_wait3A_66 = tpu.memref_slice %arg10[%add3A_62] : memref<3200000xf32, #tpu.memory_space<hbm>> -> memref<2000xf32, #tpu.memory_space<hbm>>
    tpu.wait_dma2 semaphore(%arg30 : memref<!tpu.dma_semaphore, #tpu.memory_space<semaphore_mem>>) src(%arg22 : memref<2000xf32, #tpu.memory_space<vmem>>) dst(%dma_wait3A_66 : memref<2000xf32, #tpu.memory_space<hbm>>)
    %dma_wait3A_67 = tpu.memref_slice %arg11[%add3A_62] : memref<3200000xf32, #tpu.memory_space<hbm>> -> memref<2000xf32, #tpu.memory_space<hbm>>
    %dma_wait3A_68 = tpu.memref_slice %arg11[%add3A_62] : memref<3200000xf32, #tpu.memory_space<hbm>> -> memref<2000xf32, #tpu.memory_space<hbm>>
    tpu.wait_dma2 semaphore(%arg30 : memref<!tpu.dma_semaphore, #tpu.memory_space<semaphore_mem>>) src(%arg23 : memref<2000xf32, #tpu.memory_space<vmem>>) dst(%dma_wait3A_68 : memref<2000xf32, #tpu.memory_space<hbm>>)
    %dma_wait3A_69 = tpu.memref_slice %arg12[%add3A_62] : memref<3200000xi32, #tpu.memory_space<hbm>> -> memref<2000xi32, #tpu.memory_space<hbm>>
    %dma_wait3A_70 = tpu.memref_slice %arg12[%add3A_62] : memref<3200000xi32, #tpu.memory_space<hbm>> -> memref<2000xi32, #tpu.memory_space<hbm>>
    tpu.wait_dma2 semaphore(%arg30 : memref<!tpu.dma_semaphore, #tpu.memory_space<semaphore_mem>>) src(%arg24 : memref<2000xi32, #tpu.memory_space<vmem>>) dst(%dma_wait3A_70 : memref<2000xi32, #tpu.memory_space<hbm>>)
    return
  }
}

</mosaic_0001>

<sc_bundles>
// kernel: kernel.3.cloned.1.call-start
scs
__scs_entry_jumppad:
0x0: {  	(pc) =	sbr.rel $0x88, $3  }
0x1: {  	(tag) =	ssettag $0x0;
	lr =	simm.s32 $0x1  }
0x2: {  	[smem:$0x3F9E] =	sst lr;
	_ =	strace $0xD0000000  }
0x3: {  	_ = 	snop  }
0x4: {  	_ = 	snop  }
0x5: {  	_ = 	snop  }
0x6: {  	_ = 	snop  }
0x7: {  	_ = 	snop  }
__scs_overlays_trampoline_lowered:
0x8: {  	[smem:$0x3FAD] =	sst s0  }
0x9: {  	[smem:$0x3FAE] =	sst s1  }
0xa: {  	[smem:$0x3FAF] =	sst s2  }
0xb: {  	[smem:$0x3FB0] =	sst s3  }
0xc: {  	[smem:$0x3FB1] =	sst s4  }
0xd: {  	[smem:$0x3FB2] =	sst s5  }
0xe: {  	[smem:$0x3FB3] =	sst s6  }
0xf: {  	[smem:$0x3FB4] =	sst s7  }
0x10: {  	[smem:$0x3FB5] =	sst s8  }
0x11: {  	[smem:$0x3FB6] =	sst s9;
	s0 =	simm.s32 @!p0 $0x0  }
0x12: {  	s1 =	sld [smem:$0x3F9C];
	s0 =	simm.s32 @p0 $0x1  }
0x13: {  	[smem:$0x3FB7] =	sst s0;
	s0 =	simm.s32 @!p1 $0x0  }
0x14: {  	s2 =	sld [smem:$0x3F9B];
	s0 =	simm.s32 @p1 $0x1  }
0x15: {  	[smem:$0x3FB8] =	sst s0;
	s0 =	simm.s32 @!p2 $0x0  }
0x16: {  	s3 =	sld [smem:$0x3FDB];
	s0 =	simm.s32 @p2 $0x1  }
0x17: {  	s4 =	simm.s32 $0x1BF5;
	[smem:$0x3FBA] =	sst s0  }
0x18: {  	s0 =	sld [smem:$0x3F9D];
	_ =	swait.ge [sflag:s4], $0x0  }
0x19: {  	s7 =	sld [smem:$0x3F9E]  }
0x1a: {  	s8 =	sadd.s32 $0xFFFFE003, lr  }
0x1b: {  	s9 =	sadd.s32 $0xFFFFFEF7, lr;
	s5 =	simm.s32 $0xFFFFFFFF;
	p2 =	slt.u32 s8, $0xFFFFF086  }
0x1c: {  	p1 =	slt.u32 s9, $0xF7A;
	s5 =	simm.s32 @!p2 $0x0  }
0x1d: {  	s5 =	simm.s32 @p1 $0x1;
	p0 =	seq.s32 s7, s2  }
0x1e: {  	s7 =	smul.u32 @!p0 $0xF7A, s2;
	p2 =	seq.s32 @!p0 s5, $0x0  }
0x1f: {  	s9 =	smul.u32 $0xF7A, s1;
	s8 =	simm.s32 @!p0 $0x1BF5;
	p2 =	por !p2, p0  }
0x20: {  	[sflag:s8] =	ssyncset.s32 @!p0 $0xFFFFF086;
	s6 =	sadd.s32 @!p0 s3, s7;
	s7 =	simm.s32 @!p0 $0x108  }
0x21: {  	s3 =	sadd.s32 s3, s9;
	s6 =	sadd.s32 @!p0 $0x88, s6;
	s7 =	simm.s32 @p2 $0x1082  }
0x22: {  	[simem:s7], [sflag:s8] =	dma.local @!p0 [hbm:s6], $0xF7A  }
0x23: {  	s9 =	sor.u32 $0xD0000000, s2;
	s6 =	simm.s32 $0x108;
	_ =	swait.ge @!p0 [sflag:s8], $0x0  }
0x24: {  	s3 =	sadd.s32 $0x88, s3;
	s6 =	simm.s32 @!p1 $0x1082;
	[sflag:s4] =	ssyncset.s32 $0xFFFFF086  }
0x25: {  	[simem:s6], [sflag:s4] =	dma.local [hbm:s3], $0xF7A  }
0x26: {  	[smem:$0x3F9E] =	sst s1;
	(tag) =	ssettag s2;
	_ =	strace s9  }
0x27: {  	s1 =	sld [smem:$0x3FAE]  }
0x28: {  	s2 =	sld [smem:$0x3FAF]  }
0x29: {  	s4 =	sld [smem:$0x3FB1]  }
0x2a: {  	p0 =	seq.s32 s5, $0x0;
	s5 =	sld [smem:$0x3FB2]  }
0x2b: {  	s6 =	sld [smem:$0x3FB3]  }
0x2c: {  	s7 =	sld [smem:$0x3FB4]  }
0x2d: {  	s3 =	simm.s32 $0x108;
	s8 =	sld [smem:$0x3FB5]  }
0x2e: {  	s3 =	simm.s32 @!p0 $0x1082;
	s9 =	sld [smem:$0x3FB6]  }
0x2f: {  	lr =	sadd.s32 s0, s3;
	s0 =	sld [smem:$0x3FAD]  }
0x30: {  	s3 =	sld [smem:$0x3FB0]  }
0x31: {  	[smem:$0x3FB9] =	sst s10  }
0x32: {  	s10 =	sld [smem:$0x3FB7];
	_ =	sdelay $0x3  }
0x33: {  	p0 =	seq.s32 s10, $0x1;
	s10 =	sld [smem:$0x3FB9];
	_ =	sdelay $0x3  }
0x34: {  	[smem:$0x3FB9] =	sst s10  }
0x35: {  	s10 =	sld [smem:$0x3FB8];
	_ =	sdelay $0x3  }
0x36: {  	p1 =	seq.s32 s10, $0x1;
	s10 =	sld [smem:$0x3FB9];
	_ =	sdelay $0x3  }
0x37: {  	[smem:$0x3FB9] =	sst s10  }
0x38: {  	s10 =	sld [smem:$0x3FBA]  }
0x39: {  	_ = 	snop;
	(pc) =	sbr.ind lr, $3  }
0x3a: {  	_ = 	snop  }
0x3b: {  	_ = 	snop  }
0x3c: {  	p2 =	seq.s32 s10, $0x1;
	s10 =	sld [smem:$0x3FB9]  }
0x3d: {  	_ =	shalt  }
0x3e: {  	_ =	shalt  }
0x3f: {  	_ =	shalt  }
0x40: {  	_ =	shalt  }
0x41: {  	_ =	shalt  }
0x42: {  	_ =	shalt  }
0x43: {  	_ =	shalt  }
0x44: {  	_ =	shalt  }
0x45: {  	_ =	shalt  }
0x46: {  	_ =	shalt  }
0x47: {  	_ =	shalt  }
0x48: {  	_ =	shalt  }
0x49: {  	_ =	shalt  }
0x4a: {  	_ =	shalt  }
0x4b: {  	_ =	shalt  }
0x4c: {  	_ =	shalt  }
0x4d: {  	_ =	shalt  }
0x4e: {  	_ =	shalt  }
0x4f: {  	_ =	shalt  }
0x50: {  	_ =	shalt  }
0x51: {  	_ =	shalt  }
0x52: {  	_ =	shalt  }
0x53: {  	_ =	shalt  }
0x54: {  	_ =	shalt  }
0x55: {  	_ =	shalt  }
0x56: {  	_ =	shalt  }
0x57: {  	_ =	shalt  }
0x58: {  	_ =	shalt  }
0x59: {  	_ =	shalt  }
0x5a: {  	_ =	shalt  }
0x5b: {  	_ =	shalt  }
0x5c: {  	_ =	shalt  }
0x5d: {  	_ =	shalt  }
0x5e: {  	_ =	shalt  }
0x5f: {  	_ =	shalt  }
0x60: {  	_ =	shalt  }
0x61: {  	_ =	shalt  }
0x62: {  	_ =	shalt  }
0x63: {  	_ =	shalt  }
0x64: {  	_ =	shalt  }
0x65: {  	_ =	shalt  }
0x66: {  	_ =	shalt  }
0x67: {  	_ =	shalt  }
0x68: {  	_ =	shalt  }
0x69: {  	_ =	shalt  }
0x6a: {  	_ =	shalt  }
0x6b: {  	_ =	shalt  }
0x6c: {  	_ =	shalt  }
0x6d: {  	_ =	shalt  }
0x6e: {  	_ =	shalt  }
0x6f: {  	_ =	shalt  }
0x70: {  	_ =	shalt  }
0x71: {  	_ =	shalt  }
0x72: {  	_ =	shalt  }
0x73: {  	_ =	shalt  }
0x74: {  	_ =	shalt  }
0x75: {  	_ =	shalt  }
0x76: {  	_ =	shalt  }
0x77: {  	_ =	shalt  }
0x78: {  	_ =	shalt  }
0x79: {  	_ =	shalt  }
0x7a: {  	_ =	shalt  }
0x7b: {  	_ =	shalt  }
0x7c: {  	_ =	shalt  }
0x7d: {  	_ =	shalt  }
0x7e: {  	_ =	shalt  }
0x7f: {  	_ =	shalt  }
0x80: {  	_ =	shalt  }
0x81: {  	_ =	shalt  }
0x82: {  	_ =	shalt  }
0x83: {  	_ =	shalt  }
0x84: {  	_ =	shalt  }
0x85: {  	_ =	shalt  }
0x86: {  	_ =	shalt  }
0x87: {  	_ =	shalt  }
.Lfunc_end0:
.L_simem_size_0:
called_computation_lowered:
.L_overlay_start_0:
0x88: {  	s2 =	sld [smem:$0x3FD9]  }
0x89: {  	s3 =	sld [smem:$0x3FFE];
	_ =	sdelay $0x1  }
0x8a: {  	s1 =	srdreg.scid  }
0x8b: {  	s0 =	sand.u32 $0x1, s1  }
0x8c: {  	s14 =	sshll.u32 s0, $0xA;
	s2 =	sadd.s32 s3, s2  }
0x8d: {  	s2 =	sadd.s32 s2, s14  }
0x8e: {  	[smem:$0x3FC5] =	sst s2  }
0x8f: {  	_ = 	snop  }
0x90: {  	s2 =	sld [smem:$0x3FD0];
	_ =	sdelay $0x1  }
0x91: {  	s15 =	sld [smem:$0x3FC8]  }
0x92: {  	s5 =	simm.s32 $0xA;
	s6 =	simm.s32 $0x10;
	s4 =	sld [smem:$0x3FC7]  }
0x93: {  	[smem:s6], [sflag:s5] =	dma.local [hbm:s2], $0x1  }
0x94: {  	_ =	swait.eq [sflag:s5], $0x1  }
0x95: {  	s16 =	sld [smem:$0x10]  }
0x96: {  	s17 =	sld [smem:$0x11];
	[sflag:s5] =	ssyncset.done $0x0  }
0x97: {  	s7 =	sld [smem:$0x12];
	[sflag:s5] =	ssyncadd.s32 $0xFFFFFFFF  }
0x98: {  	s18 =	sld [smem:$0x13];
	(tm) =	ssettm $0x1  }
0x99: {  	s8 =	sld [smem:$0x3FFB];
	_ =	sdelay $0x3  }
0x9a: {  	_ =	strace s8  }
0x9b: {  	s8 =	sld [smem:$0x3FFC];
	_ =	sdelay $0x3  }
0x9c: {  	_ =	strace s8  }
0x9d: {  	s8 =	sld [smem:$0x3FFD];
	_ =	sdelay $0x3  }
0x9e: {  	_ =	strace s8  }
0x9f: {  	_ =	strace $0x8FFFFFFF  }
0xa0: {  	s19 =	sld [smem:$0x3FDB];
	_ =	sdelay $0x1  }
0xa1: {  	s9 =	simm.s32 $_scs_section_size  }
0xa2: {  	s10 =	simm.s32 $_size__tile_overlayer_lowered;
	s11 =	simm.s32 $_tile_overlayer_lowered  }
0xa3: {  	s22 =	simm.s32 $0x1BFF;
	s21 =	sshll.u32 s11, $0x1;
	s8 =	sadd.s32 s9, s19  }
0xa4: {  	s12 =	simm.s32 $0x0;
	s20 =	sshll.u32 s10, $0x1;
	s10 =	sadd.s32 s21, s8  }
0xa5: {  	[timem:s12], [sflag:s22] =	dma.local [hbm:s10], s20  }
0xa6: {  	_ =	swait.ge [sflag:s22], s20  }
0xa7: {  	s9 =	ssub.s32 $0x0, s20;
	[sflag:s22] =	ssyncset.done $0x0  }
0xa8: {  	[sflag:s22] =	ssyncadd.s32 s9;
	_ =	sdelay $0x1  }
0xa9: {  	s23 =	simm.s32 $0x1B8B  }
0xaa: {  	_ =	swait.ge [sflag:s23], $0x1  }
0xab: {  	[sflag:s23] =	ssyncset.done $0x0  }
0xac: {  	s25 =	simm.s32 $0x1B8E;
	s24 =	sld [smem:$0x3FFE];
	[sflag:s23] =	ssyncadd.s32 $0xFFFFFFFF  }
0xad: {  	s26 =	simm.s32 $execute0_lowered;
	[smem:$0x3FD2] =	sst s25  }
0xae: {  	s10 =	sshll.u32 s26, $0x1;
	_ =	strace $0x80000046;
	[dreg:$0x1] =	wrdreg $0xFFFFFFFF  }
0xaf: {  	s28 =	simm.s32 $_size_execute0_lowered;
	s8 =	sadd.s32 s8, s10;
	[dreg:$0x0] =	wrdreg $0x0  }
0xb0: {  	s10 =	sshll.u32 s28, $0x1;
	[dreg:$0x2] =	wrdreg s8  }
0xb1: {  	[dreg:$0x3] =	wrdreg s10  }
0xb2: {  	[dreg:$0x4] =	wrdreg $0xC0  }
0xb3: {  	_ =	task [dreg:s12], $0x5FFFF  }
0xb4: {  	[dreg:$0x1] =	wrdreg $0xFFFFFFFF  }
0xb5: {  	[dreg:$0x0] =	wrdreg $0x60  }
0xb6: {  	[dreg:$0x2] =	wrdreg s24  }
0xb7: {  	[dreg:$0x3] =	wrdreg s18  }
0xb8: {  	[dreg:$0x4] =	wrdreg s15  }
0xb9: {  	[dreg:$0x5] =	wrdreg s4  }
0xba: {  	[dreg:$0x6] =	wrdreg s16  }
0xbb: {  	[dreg:$0x7] =	wrdreg s17  }
0xbc: {  	[dreg:$0x8] =	wrdreg s7  }
0xbd: {  	[dreg:$0x9] =	wrdreg $0x9  }
0xbe: {  	_ =	task.clear_ibuf [dreg:s12], $0xAFFFF;
	_ =	strace $0x90000046  }
0xbf: {  	s29 =	simm.s32 $0x9;
	_ =	strace $0x80000048  }
0xc0: {  	_ =	swait.ge [sflag:s29], $0x1  }
0xc1: {  	[sflag:s29] =	ssyncadd.s32 $0xFFFFFFFF  }
0xc2: {  	_ =	strace $0x90000048  }
0xc3: {  	_ =	sfence  }
0xc4: {  	s30 =	sld [smem:$0x0];
	_ =	sdelay $0x2  }
0xc5: {  	s31 =	sshll.u32 s1, $0xD;
	s1 =	sshrl.u32 s1, $0x2  }
0xc6: {  	s3 =	sand.u32 $0x4000, s31;
	s1 =	sadd.s32 s1, s30  }
0xc7: {  	s0 =	sor.u32 s3, s0;
	s1 =	sshll.u32 s1, $0x11  }
0xc8: {  	s0 =	sor.u32 s1, s0  }
0xc9: {  	s0 =	sadd.s32 $0x8F2B, s0  }
0xca: {  	[sflag:s0] =	ssyncadd.remote.s32 $0x1  }
0xcb: {  	_ =	sfence.sel $0xFFFF  }
0xcc: {  	[dreg:$0x0] =	wrdreg $0xFFFFFFFF;
	(pc) =	sbr.abs _section_cstart, $3  }
0xcd: {  	[dreg:$0x1] =	wrdreg $0xFFFFFFFF  }
0xce: {  	_ =	task.clear_ibuf [dreg:s12], $0x2FFFF;
	_ =	strace $0x9FFFFFFF  }
0xcf: {  	(tm) =	ssettm $0x7FFFFFFF  }
tec
execute0_lowered:
.L_overlay_start_1:
0x0: {  	(tag) =	ssettag $0x1  }
0x1: {  	s2 =	rddreg [dreg:$0x0]  }
0x2: {  	s3 =	rddreg [dreg:$0x2]  }
0x3: {  	s4 =	rddreg [dreg:$0x3]  }
0x4: {  	s5 =	rddreg [dreg:$0x4]  }
0x5: {  	s22 =	rddreg [dreg:$0x5]  }
0x6: {  	s25 =	rddreg [dreg:$0x6]  }
0x7: {  	s0 =	srdreg.scid;
	s1 =	stileid.u32  }
0x8: {  	s9 =	simm.s32 $0x0;
	s28 =	simm.s32 $0x1;
	s29 =	simm.s32 $0x1C700  }
0x9: {  	s30 =	simm.s32 $0x2;
	s31 =	simm.s32 $0x1DF00;
	s20 =	simm.s32 $0x4  }
0xa: {  	s0 =	sand.u32 $0x1, s0;
	s1 =	sshll.u32 s1, $0x1;
	[smem:$0x7FF] =	sst s9  }
0xb: {  	s6 =	sadd.s32 $0x3200, s2;
	s12 =	sadd.s32 $0x68000, s2;
	s13 =	sadd.s32 $0xC9C00, s2  }
0xc: {  	s14 =	sadd.s32 $0x6400, s2;
	s1 =	sor.u32 s0, s1;
	s0 =	ssub.s32 $0x2, s0  }
0xd: {  	_ =	strace $0x80000047;
	s11 =	smul.u32 $0x186A0, s1;
	s21 =	sshrl.u32 s0, $0x1  }
0xe: {  	[dreg:$0x8] =	wrdreg s6;
	s6 =	simm.s32 $0x0;
	s0 =	ssub.s32 s0, s21  }
0xf: {  	s1 =	simm.s32 $0x5;
	s23 =	sshrl.u32 s11, $0x3;
	s0 =	smax.u32 s0, $0x1  }
0x10: {  	s17 =	sadd.s32 $0x7D0, s11;
	s24 =	sadd.s32 s5, s23;
	[dreg:$0xd] =	wrdreg s0  }
0x11: {  	s18 =	sadd.s32 $0xFA0, s11;
	s26 =	sadd.s32 s12, s23;
	[dreg:$0xb] =	wrdreg s24  }
0x12: {  	s19 =	sadd.s32 s3, s23;
	s21 =	sadd.s32 s4, s23;
	[dreg:$0xc] =	wrdreg s26  }
0x13: {  	s23 =	simm.s32 $0x19700;
	s0 =	simm.s32 $0x3;
	[dreg:$0x9] =	wrdreg s19  }
0x14: {  	v0 =	vimm.s32 $0x0;
	s24 =	simm.s32 $0x6;
	s26 =	simm.s32 $0x18700;
	[dreg:$0xa] =	wrdreg s21  }
.LBB2_1:
0x15: {  	[dreg:$0xe] =	wrdreg s6  }
0x16: {  	s2 =	rddreg [dreg:$0x8]  }
0x17: {  	[tilespmem:s9], [sflag:$0x6] =	stream.linear.gather [hbm4b:s2+s9], $0x18700, $0x38;
	[tilespmem:$0x1E700] =	vst v63  }
0x18: {  	_ =	swait.ge [sflag:s24], $0x18700  }
0x19: {  	[sflag:s24] =	ssyncset.done $0x0  }
0x1a: {  	[sflag:s24] =	ssyncadd.s32 $0xFFFE7900  }
0x1b: {  	[tilespmem:s26], [sflag:$0x1] =	stream.linear.gather [hbm4b:s19+s9], $0x7D0, $0x38;
	[tilespmem:$0x1E700] =	vst v63  }
0x1c: {  	s16 =	simm.s32 $0x18F00;
	s2 =	simm.s32 $0x0  }
0x1d: {  	[tilespmem:s16], [sflag:$0x1] =	stream.linear.gather [hbm4b:s21+s9], $0x7D0, $0x38;
	[tilespmem:$0x1E700] =	vst v63  }
.LBB2_2:
0x1e: {  	s7 =	smul.u32 $0xFA0, s2;
	_ =	sdelay $0x1  }
0x1f: {  	s6 =	sadd.s32 s7, s17  }
0x20: {  	s6 =	sshrl.u32 s6, $0x3  }
0x21: {  	s8 =	sadd.s32 s3, s6  }
0x22: {  	[tilespmem:s23], [sflag:$0x2] =	stream.linear.gather [hbm4b:s8+s9], $0x7D0, $0x38;
	[tilespmem:$0x1E700] =	vst v63  }
0x23: {  	s10 =	simm.s32 $0x19F00;
	s15 =	sadd.s32 s4, s6  }
0x24: {  	[tilespmem:s10], [sflag:$0x2] =	stream.linear.gather [hbm4b:s15+s9], $0x7D0, $0x38;
	[tilespmem:$0x1E700] =	vst v63  }
0x25: {  	_ =	swait.ge [sflag:s28], $0x7D0  }
0x26: {  	[sflag:s28] =	ssyncset.done $0x0  }
0x27: {  	[sflag:s28] =	ssyncadd.s32 $0xFFFFF830  }
0x28: {  	_ =	swait.ge [sflag:s28], $0x7D0  }
0x29: {  	p0 =	seq.s32 s2, $0x0;
	[sflag:s28] =	ssyncset.done $0x0  }
0x2a: {  	s8 =	simm.s32 @!p0 $0x5;
	[sflag:s28] =	ssyncadd.s32 $0xFFFFF830  }
0x2b: {  	_ =	swait.ge @!p0 [sflag:s8], $0x7D0  }
0x2c: {  	[sflag:s8] =	ssyncset.done @!p0 $0x0  }
0x2d: {  	s16 =	simm.s32 $0x18720;
	[sflag:s8] =	ssyncadd.s32 @!p0 $0xFFFFF830  }
0x2e: {  	s15 =	simm.s32 $0x18F20;
	v1 =	vld [tilespmem:s16+$0x10]  }
0x2f: {  	v2 =	vld [tilespmem:s15+$0x10]  }
0x30: {  	v3 =	vld [tilespmem:s15+$0xFFFFFFE0]  }
0x31: {  	v4 =	vld [tilespmem:s16+$0xFFFFFFF0]  }
0x32: {  	v5 =	vld [tilespmem:s15+$0xFFFFFFF0]  }
0x33: {  	v6 =	vld [tilespmem:s16+$0x0]  }
0x34: {  	v7 =	vld [tilespmem:s15+$0x0]  }
0x35: {  	s8 =	simm.s32 $0x18F60;
	v8 =	vld [tilespmem:s16+$0xFFFFFFE0]  }
0x36: {  	v10 =	vld [tilespmem:s8+$0x10]  }
0x37: {  	v11 =	vld [tilespmem:s8+$0xFFFFFFE0]  }
0x38: {  	v13 =	vld [tilespmem:s8+$0xFFFFFFF0]  }
0x39: {  	s16 =	simm.s32 $0x18760;
	v15 =	vld [tilespmem:s8+$0x0]  }
0x3a: {  	v9 =	vld [tilespmem:s16+$0x10]  }
0x3b: {  	v12 =	vld [tilespmem:s16+$0xFFFFFFF0]  }
0x3c: {  	v14 =	vld [tilespmem:s16+$0x0]  }
0x3d: {  	v16 =	vld [tilespmem:s16+$0xFFFFFFE0]  }
0x3e: {  	v1 =	vld.idx.msk [tilespmem:v1+s9+$0x0], $0xffff  }
0x3f: {  	v2 =	vld.idx.msk [tilespmem:v2+s9+$0x0], $0xffff  }
0x40: {  	v3 =	vld.idx.msk [tilespmem:v3+s9+$0x0], $0xffff  }
0x41: {  	v4 =	vld.idx.msk [tilespmem:v4+s9+$0x0], $0xffff  }
0x42: {  	v5 =	vld.idx.msk [tilespmem:v5+s9+$0x0], $0xffff  }
0x43: {  	v6 =	vld.idx.msk [tilespmem:v6+s9+$0x0], $0xffff  }
0x44: {  	v7 =	vld.idx.msk [tilespmem:v7+s9+$0x0], $0xffff  }
0x45: {  	v8 =	vld.idx.msk [tilespmem:v8+s9+$0x0], $0xffff  }
0x46: {  	v10 =	vld.idx.msk [tilespmem:v10+s9+$0x0], $0xffff  }
0x47: {  	v9 =	vld.idx.msk [tilespmem:v9+s9+$0x0], $0xffff  }
0x48: {  	v17 =	vsub.f32 v2, v1;
	v1 =	vld.idx.msk [tilespmem:v11+s9+$0x0], $0xffff  }
0x49: {  	s10 =	simm.s32 $0x1C720;
	v5 =	vsub.f32 v5, v4;
	v2 =	vld.idx.msk [tilespmem:v12+s9+$0x0], $0xffff  }
0x4a: {  	v6 =	vsub.f32 v7, v6;
	v4 =	vld.idx.msk [tilespmem:v13+s9+$0x0], $0xffff;
	[tilespmem:s10+$0x10] =	vst v17  }
0x4b: {  	v7 =	vsub.f32 v3, v8;
	v3 =	vld.idx.msk [tilespmem:v14+s9+$0x0], $0xffff;
	[tilespmem:s10+$0xFFFFFFF0] =	vst v5  }
0x4c: {  	[tilespmem:s10+$0x0] =	vst v6;
	v5 =	vld.idx.msk [tilespmem:v15+s9+$0x0], $0xffff  }
0x4d: {  	s15 =	simm.s32 $0x40;
	s16 =	simm.s32 $0x187A0;
	[tilespmem:s10+$0xFFFFFFE0] =	vst v7;
	v6 =	vld.idx.msk [tilespmem:v16+s9+$0x0], $0xffff;
	v7 =	vsub.f32 v10, v9  }
.LBB2_3:
0x4e: {  	v8 =	vld [tilespmem:s16+$0x10];
	s8 =	sadd.s32 $0x40, s8;
	s10 =	sadd.s32 $0x40, s10  }
0x4f: {  	s15 =	sadd.s32 $0x40, s15;
	v9 =	vld [tilespmem:s8+$0x10];
	[tilespmem:s10+$0x10] =	vst v7  }
0x50: {  	p1 =	slt.u32 s15, $0x780;
	v2 =	vsub.f32 v4, v2;
	v7 =	vld [tilespmem:s8+$0xFFFFFFE0]  }
0x51: {  	v4 =	vld [tilespmem:s16+$0xFFFFFFF0]  }
0x52: {  	v10 =	vld [tilespmem:s8+$0xFFFFFFF0];
	[tilespmem:s10+$0xFFFFFFF0] =	vst v2;
	v2 =	vsub.f32 v5, v3  }
0x53: {  	v1 =	vsub.f32 v1, v6;
	v3 =	vld [tilespmem:s16+$0x0]  }
0x54: {  	v5 =	vld [tilespmem:s8+$0x0];
	[tilespmem:s10+$0x0] =	vst v2  }
0x55: {  	v6 =	vld [tilespmem:s16+$0xFFFFFFE0];
	[tilespmem:s10+$0xFFFFFFE0] =	vst v1  }
0x56: {  	v8 =	vld.idx.msk [tilespmem:v8+s9+$0x0], $0xffff  }
0x57: {  	v9 =	vld.idx.msk [tilespmem:v9+s9+$0x0], $0xffff  }
0x58: {  	v1 =	vld.idx.msk [tilespmem:v7+s9+$0x0], $0xffff  }
.Ltmp0:
0x59: {  	v2 =	vld.idx.msk [tilespmem:v4+s9+$0x0], $0xffff;
	(pc) =	sbr.rel @p1 .LBB2_3-.Ltmp0, $4  }
0x5a: {  	v4 =	vld.idx.msk [tilespmem:v10+s9+$0x0], $0xffff  }
0x5b: {  	v3 =	vld.idx.msk [tilespmem:v3+s9+$0x0], $0xffff  }
0x5c: {  	v5 =	vld.idx.msk [tilespmem:v5+s9+$0x0], $0xffff  }
0x5d: {  	s16 =	sadd.s32 $0x40, s16;
	v7 =	vsub.f32 v9, v8;
	v6 =	vld.idx.msk [tilespmem:v6+s9+$0x0], $0xffff  }
0x5e: {  	_ =	sdelay $0x1  }
0x5f: {  	s8 =	sadd.s32 $0x40, s10;
	v2 =	vsub.f32 v4, v2  }
0x60: {  	[tilespmem:s8+$0x10] =	vst v7;
	v3 =	vsub.f32 v5, v3  }
0x61: {  	[tilespmem:s8+$0xFFFFFFF0] =	vst v2;
	v1 =	vsub.f32 v1, v6  }
0x62: {  	[tilespmem:s8+$0x0] =	vst v3  }
0x63: {  	[tilespmem:s8+$0xFFFFFFE0] =	vst v1  }
0x64: {  	v1 =	vld [tilespmem:$0x18EC0]  }
0x65: {  	v2 =	vld [tilespmem:$0x196C0];
	_ =	sdelay $0x6  }
0x66: {  	v1 =	vld.idx.msk [tilespmem:v1+s9+$0x0], $0xffff  }
0x67: {  	v2 =	vld.idx.msk [tilespmem:v2+s9+$0x0], $0xffff;
	_ =	sdelay $0x4  }
0x68: {  	s16 =	sadd.s32 s11, s7;
	p1 =	seq.s32 s2, $0x18;
	v1 =	vsub.f32 v2, v1  }
0x69: {  	s7 =	sadd.s32 @!p1 s7, s18;
	s8 =	sshrl.u32 s16, $0x3  }
0x6a: {  	s7 =	sshrl.u32 @!p1 s7, $0x3;
	s8 =	sadd.s32 s5, s8;
	[tilespmem:$0x1CEC0] =	vst v1  }
0x6b: {  	[hbm4b:s8+s9] =	stream.linear.scatter [tilespmem:s29], [sflag:$0x5], $0x7D0, $0x38;
	[tilespmem:$0x1E700] =	vst v63  }
0x6c: {  	s10 =	simm.s32 @!p1 $0x0;
	s15 =	simm.s32 @!p1 $0x18700;
	s8 =	sadd.s32 @!p1 s3, s7  }
0x6d: {  	[tilespmem:s15], [sflag:$0x1] =	stream.linear.gather @!p1 [hbm4b:s8+s10], $0x7D0, $0x38;
	[tilespmem:$0x1E700] =	vst v63  }
0x6e: {  	s7 =	sadd.s32 @!p1 s4, s7;
	s8 =	simm.s32 @!p1 $0x18F00  }
0x6f: {  	[tilespmem:s8], [sflag:$0x1] =	stream.linear.gather @!p1 [hbm4b:s7+s10], $0x7D0, $0x38;
	[tilespmem:$0x1E700] =	vst v63  }
0x70: {  	_ =	swait.ge [sflag:s30], $0x7D0  }
0x71: {  	[sflag:s30] =	ssyncset.done $0x0  }
0x72: {  	[sflag:s30] =	ssyncadd.s32 $0xFFFFF830  }
0x73: {  	_ =	swait.ge [sflag:s30], $0x7D0  }
0x74: {  	[sflag:s30] =	ssyncset.done $0x0  }
0x75: {  	s7 =	simm.s32 @!p0 $0x5;
	[sflag:s30] =	ssyncadd.s32 $0xFFFFF830  }
0x76: {  	_ =	swait.ge @!p0 [sflag:s7], $0x7D0  }
0x77: {  	[sflag:s7] =	ssyncset.done @!p0 $0x0  }
0x78: {  	s10 =	simm.s32 $0x19720;
	[sflag:s7] =	ssyncadd.s32 @!p0 $0xFFFFF830  }
0x79: {  	s15 =	simm.s32 $0x19F20;
	v1 =	vld [tilespmem:s10+$0x10]  }
0x7a: {  	v2 =	vld [tilespmem:s15+$0x10]  }
0x7b: {  	v3 =	vld [tilespmem:s15+$0xFFFFFFE0]  }
0x7c: {  	v4 =	vld [tilespmem:s10+$0xFFFFFFF0]  }
0x7d: {  	v5 =	vld [tilespmem:s15+$0xFFFFFFF0]  }
0x7e: {  	v6 =	vld [tilespmem:s10+$0x0]  }
0x7f: {  	v7 =	vld [tilespmem:s15+$0x0]  }
0x80: {  	s16 =	simm.s32 $0x19760;
	v8 =	vld [tilespmem:s10+$0xFFFFFFE0]  }
0x81: {  	s7 =	simm.s32 $0x19F60;
	v9 =	vld [tilespmem:s16+$0x10]  }
0x82: {  	v10 =	vld [tilespmem:s7+$0x10]  }
0x83: {  	v11 =	vld [tilespmem:s7+$0xFFFFFFE0]  }
0x84: {  	v12 =	vld [tilespmem:s16+$0xFFFFFFF0]  }
0x85: {  	v13 =	vld [tilespmem:s7+$0xFFFFFFF0]  }
0x86: {  	v14 =	vld [tilespmem:s16+$0x0]  }
0x87: {  	v15 =	vld [tilespmem:s7+$0x0]  }
0x88: {  	v16 =	vld [tilespmem:s16+$0xFFFFFFE0]  }
0x89: {  	v1 =	vld.idx.msk [tilespmem:v1+s9+$0x0], $0xffff  }
0x8a: {  	v2 =	vld.idx.msk [tilespmem:v2+s9+$0x0], $0xffff  }
0x8b: {  	v3 =	vld.idx.msk [tilespmem:v3+s9+$0x0], $0xffff  }
0x8c: {  	v4 =	vld.idx.msk [tilespmem:v4+s9+$0x0], $0xffff  }
0x8d: {  	v5 =	vld.idx.msk [tilespmem:v5+s9+$0x0], $0xffff  }
0x8e: {  	v6 =	vld.idx.msk [tilespmem:v6+s9+$0x0], $0xffff  }
0x8f: {  	v7 =	vld.idx.msk [tilespmem:v7+s9+$0x0], $0xffff  }
0x90: {  	v8 =	vld.idx.msk [tilespmem:v8+s9+$0x0], $0xffff  }
0x91: {  	v9 =	vld.idx.msk [tilespmem:v9+s9+$0x0], $0xffff  }
0x92: {  	v10 =	vld.idx.msk [tilespmem:v10+s9+$0x0], $0xffff  }
0x93: {  	v17 =	vsub.f32 v2, v1;
	v1 =	vld.idx.msk [tilespmem:v11+s9+$0x0], $0xffff  }
0x94: {  	s8 =	simm.s32 $0x1DF20;
	v5 =	vsub.f32 v5, v4;
	v2 =	vld.idx.msk [tilespmem:v12+s9+$0x0], $0xffff  }
0x95: {  	v6 =	vsub.f32 v7, v6;
	v4 =	vld.idx.msk [tilespmem:v13+s9+$0x0], $0xffff;
	[tilespmem:s8+$0x10] =	vst v17  }
0x96: {  	v7 =	vsub.f32 v3, v8;
	v3 =	vld.idx.msk [tilespmem:v14+s9+$0x0], $0xffff;
	[tilespmem:s8+$0xFFFFFFF0] =	vst v5  }
0x97: {  	[tilespmem:s8+$0x0] =	vst v6;
	v5 =	vld.idx.msk [tilespmem:v15+s9+$0x0], $0xffff  }
0x98: {  	s10 =	simm.s32 $0x40;
	s15 =	simm.s32 $0x197A0;
	[tilespmem:s8+$0xFFFFFFE0] =	vst v7;
	v6 =	vld.idx.msk [tilespmem:v16+s9+$0x0], $0xffff;
	v7 =	vsub.f32 v10, v9  }
.LBB2_5:
0x99: {  	v8 =	vld [tilespmem:s15+$0x10];
	s7 =	sadd.s32 $0x40, s7;
	s8 =	sadd.s32 $0x40, s8  }
0x9a: {  	s10 =	sadd.s32 $0x40, s10;
	v9 =	vld [tilespmem:s7+$0x10];
	[tilespmem:s8+$0x10] =	vst v7  }
0x9b: {  	p0 =	slt.u32 s10, $0x780;
	v2 =	vsub.f32 v4, v2;
	v7 =	vld [tilespmem:s7+$0xFFFFFFE0]  }
0x9c: {  	v4 =	vld [tilespmem:s15+$0xFFFFFFF0]  }
0x9d: {  	v10 =	vld [tilespmem:s7+$0xFFFFFFF0];
	[tilespmem:s8+$0xFFFFFFF0] =	vst v2;
	v2 =	vsub.f32 v5, v3  }
0x9e: {  	v1 =	vsub.f32 v1, v6;
	v3 =	vld [tilespmem:s15+$0x0]  }
0x9f: {  	v5 =	vld [tilespmem:s7+$0x0];
	[tilespmem:s8+$0x0] =	vst v2  }
0xa0: {  	v6 =	vld [tilespmem:s15+$0xFFFFFFE0];
	[tilespmem:s8+$0xFFFFFFE0] =	vst v1  }
0xa1: {  	v8 =	vld.idx.msk [tilespmem:v8+s9+$0x0], $0xffff  }
0xa2: {  	v9 =	vld.idx.msk [tilespmem:v9+s9+$0x0], $0xffff  }
0xa3: {  	v1 =	vld.idx.msk [tilespmem:v7+s9+$0x0], $0xffff  }
.Ltmp1:
0xa4: {  	v2 =	vld.idx.msk [tilespmem:v4+s9+$0x0], $0xffff;
	(pc) =	sbr.rel @p0 .LBB2_5-.Ltmp1, $4  }
0xa5: {  	v4 =	vld.idx.msk [tilespmem:v10+s9+$0x0], $0xffff  }
0xa6: {  	v3 =	vld.idx.msk [tilespmem:v3+s9+$0x0], $0xffff  }
0xa7: {  	v5 =	vld.idx.msk [tilespmem:v5+s9+$0x0], $0xffff  }
0xa8: {  	s15 =	sadd.s32 $0x40, s15;
	v7 =	vsub.f32 v9, v8;
	v6 =	vld.idx.msk [tilespmem:v6+s9+$0x0], $0xffff  }
0xa9: {  	_ =	sdelay $0x1  }
0xaa: {  	s7 =	sadd.s32 $0x40, s8;
	v2 =	vsub.f32 v4, v2  }
0xab: {  	[tilespmem:s7+$0x10] =	vst v7;
	v3 =	vsub.f32 v5, v3  }
0xac: {  	[tilespmem:s7+$0xFFFFFFF0] =	vst v2;
	v1 =	vsub.f32 v1, v6  }
0xad: {  	[tilespmem:s7+$0x0] =	vst v3  }
0xae: {  	[tilespmem:s7+$0xFFFFFFE0] =	vst v1  }
0xaf: {  	v1 =	vld [tilespmem:$0x19EC0]  }
0xb0: {  	v2 =	vld [tilespmem:$0x1A6C0];
	_ =	sdelay $0x6  }
0xb1: {  	v1 =	vld.idx.msk [tilespmem:v1+s9+$0x0], $0xffff  }
0xb2: {  	v2 =	vld.idx.msk [tilespmem:v2+s9+$0x0], $0xffff;
	_ =	sdelay $0x1  }
0xb3: {  	s2 =	sadd.s32 $0x1, s2  }
0xb4: {  	p0 =	sne.s32 s2, $0x19  }
.Ltmp2:
0xb5: {  	_ = 	snop;
	(pc) =	sbr.rel @p0 .LBB2_2-.Ltmp2, $3  }
0xb6: {  	v1 =	vsub.f32 v2, v1;
	_ =	sdelay $0x1  }
0xb7: {  	s6 =	sadd.s32 s5, s6;
	[tilespmem:$0x1E6C0] =	vst v1  }
0xb8: {  	[hbm4b:s6+s9] =	stream.linear.scatter [tilespmem:s31], [sflag:$0x5], $0x7D0, $0x38;
	[tilespmem:$0x1E700] =	vst v63  }
0xb9: {  	_ =	swait.ge [sflag:s1], $0x7D0  }
0xba: {  	[sflag:s1] =	ssyncset.done $0x0  }
0xbb: {  	[sflag:s1] =	ssyncadd.s32 $0xFFFFF830  }
0xbc: {  	_ =	swait.ge [sflag:s1], $0x7D0  }
0xbd: {  	[sflag:s1] =	ssyncset.done $0x0  }
0xbe: {  	[sflag:s1] =	ssyncadd.s32 $0xFFFFF830  }
0xbf: {  	s2 =	simm.s32 $0x0;
	s6 =	rddreg [dreg:$0x0]  }
0xc0: {  	[tilespmem:s2], [sflag:$0x6] =	stream.linear.gather [hbm4b:s6+s2], $0x18700, $0x38;
	[tilespmem:$0x1E700] =	vst v63  }
0xc1: {  	_ =	swait.ge [sflag:s24], $0x18700  }
0xc2: {  	[sflag:s24] =	ssyncset.done $0x0  }
0xc3: {  	[sflag:s24] =	ssyncadd.s32 $0xFFFE7900  }
0xc4: {  	[tilespmem:s26], [sflag:$0x1] =	stream.linear.gather [hbm4b:s19+s2], $0x7D0, $0x38;
	[tilespmem:$0x1E700] =	vst v63  }
0xc5: {  	s16 =	simm.s32 $0x18F00  }
0xc6: {  	[tilespmem:s16], [sflag:$0x1] =	stream.linear.gather [hbm4b:s21+s2], $0x7D0, $0x38;
	[tilespmem:$0x1E700] =	vst v63  }
.LBB2_8:
0xc7: {  	s7 =	smul.u32 $0xFA0, s2;
	_ =	sdelay $0x1  }
0xc8: {  	s6 =	sadd.s32 s7, s17  }
0xc9: {  	s6 =	sshrl.u32 s6, $0x3  }
0xca: {  	s8 =	sadd.s32 s3, s6  }
0xcb: {  	[tilespmem:s23], [sflag:$0x2] =	stream.linear.gather [hbm4b:s8+s9], $0x7D0, $0x38;
	[tilespmem:$0x1E700] =	vst v63  }
0xcc: {  	s10 =	simm.s32 $0x19F00;
	s15 =	sadd.s32 s4, s6  }
0xcd: {  	[tilespmem:s10], [sflag:$0x2] =	stream.linear.gather [hbm4b:s15+s9], $0x7D0, $0x38;
	[tilespmem:$0x1E700] =	vst v63  }
0xce: {  	_ =	swait.ge [sflag:s28], $0x7D0  }
0xcf: {  	[sflag:s28] =	ssyncset.done $0x0  }
0xd0: {  	[sflag:s28] =	ssyncadd.s32 $0xFFFFF830  }
0xd1: {  	_ =	swait.ge [sflag:s28], $0x7D0  }
0xd2: {  	p0 =	seq.s32 s2, $0x0;
	[sflag:s28] =	ssyncset.done $0x0  }
0xd3: {  	s8 =	simm.s32 @!p0 $0x5;
	[sflag:s28] =	ssyncadd.s32 $0xFFFFF830  }
0xd4: {  	_ =	swait.ge @!p0 [sflag:s8], $0x7D0  }
0xd5: {  	[sflag:s8] =	ssyncset.done @!p0 $0x0  }
0xd6: {  	s16 =	simm.s32 $0x18720;
	[sflag:s8] =	ssyncadd.s32 @!p0 $0xFFFFF830  }
0xd7: {  	s15 =	simm.s32 $0x18F20;
	v1 =	vld [tilespmem:s16+$0x10]  }
0xd8: {  	v2 =	vld [tilespmem:s15+$0x10]  }
0xd9: {  	v3 =	vld [tilespmem:s15+$0xFFFFFFE0]  }
0xda: {  	v4 =	vld [tilespmem:s16+$0xFFFFFFF0]  }
0xdb: {  	v5 =	vld [tilespmem:s15+$0xFFFFFFF0]  }
0xdc: {  	v6 =	vld [tilespmem:s16+$0x0]  }
0xdd: {  	v7 =	vld [tilespmem:s15+$0x0]  }
0xde: {  	s8 =	simm.s32 $0x18F60;
	v8 =	vld [tilespmem:s16+$0xFFFFFFE0]  }
0xdf: {  	v10 =	vld [tilespmem:s8+$0x10]  }
0xe0: {  	v11 =	vld [tilespmem:s8+$0xFFFFFFE0]  }
0xe1: {  	v13 =	vld [tilespmem:s8+$0xFFFFFFF0]  }
0xe2: {  	s16 =	simm.s32 $0x18760;
	v15 =	vld [tilespmem:s8+$0x0]  }
0xe3: {  	v9 =	vld [tilespmem:s16+$0x10]  }
0xe4: {  	v12 =	vld [tilespmem:s16+$0xFFFFFFF0]  }
0xe5: {  	v14 =	vld [tilespmem:s16+$0x0]  }
0xe6: {  	v16 =	vld [tilespmem:s16+$0xFFFFFFE0]  }
0xe7: {  	v1 =	vld.idx.msk [tilespmem:v1+s9+$0x0], $0xffff  }
0xe8: {  	v2 =	vld.idx.msk [tilespmem:v2+s9+$0x0], $0xffff  }
0xe9: {  	v3 =	vld.idx.msk [tilespmem:v3+s9+$0x0], $0xffff  }
0xea: {  	v4 =	vld.idx.msk [tilespmem:v4+s9+$0x0], $0xffff  }
0xeb: {  	v5 =	vld.idx.msk [tilespmem:v5+s9+$0x0], $0xffff  }
0xec: {  	v6 =	vld.idx.msk [tilespmem:v6+s9+$0x0], $0xffff  }
0xed: {  	v7 =	vld.idx.msk [tilespmem:v7+s9+$0x0], $0xffff  }
0xee: {  	v8 =	vld.idx.msk [tilespmem:v8+s9+$0x0], $0xffff  }
0xef: {  	v10 =	vld.idx.msk [tilespmem:v10+s9+$0x0], $0xffff  }
0xf0: {  	v9 =	vld.idx.msk [tilespmem:v9+s9+$0x0], $0xffff  }
0xf1: {  	v17 =	vsub.f32 v2, v1;
	v1 =	vld.idx.msk [tilespmem:v11+s9+$0x0], $0xffff  }
0xf2: {  	s10 =	simm.s32 $0x1C720;
	v5 =	vsub.f32 v5, v4;
	v2 =	vld.idx.msk [tilespmem:v12+s9+$0x0], $0xffff  }
0xf3: {  	v6 =	vsub.f32 v7, v6;
	v4 =	vld.idx.msk [tilespmem:v13+s9+$0x0], $0xffff;
	[tilespmem:s10+$0x10] =	vst v17  }
0xf4: {  	v7 =	vsub.f32 v3, v8;
	v3 =	vld.idx.msk [tilespmem:v14+s9+$0x0], $0xffff;
	[tilespmem:s10+$0xFFFFFFF0] =	vst v5  }
0xf5: {  	[tilespmem:s10+$0x0] =	vst v6;
	v5 =	vld.idx.msk [tilespmem:v15+s9+$0x0], $0xffff  }
0xf6: {  	s15 =	simm.s32 $0x40;
	s16 =	simm.s32 $0x187A0;
	[tilespmem:s10+$0xFFFFFFE0] =	vst v7;
	v6 =	vld.idx.msk [tilespmem:v16+s9+$0x0], $0xffff;
	v7 =	vsub.f32 v10, v9  }
.LBB2_9:
0xf7: {  	v8 =	vld [tilespmem:s16+$0x10];
	s8 =	sadd.s32 $0x40, s8;
	s10 =	sadd.s32 $0x40, s10  }
0xf8: {  	s15 =	sadd.s32 $0x40, s15;
	v9 =	vld [tilespmem:s8+$0x10];
	[tilespmem:s10+$0x10] =	vst v7  }
0xf9: {  	p1 =	slt.u32 s15, $0x780;
	v2 =	vsub.f32 v4, v2;
	v7 =	vld [tilespmem:s8+$0xFFFFFFE0]  }
0xfa: {  	v4 =	vld [tilespmem:s16+$0xFFFFFFF0]  }
0xfb: {  	v10 =	vld [tilespmem:s8+$0xFFFFFFF0];
	[tilespmem:s10+$0xFFFFFFF0] =	vst v2;
	v2 =	vsub.f32 v5, v3  }
0xfc: {  	v1 =	vsub.f32 v1, v6;
	v3 =	vld [tilespmem:s16+$0x0]  }
0xfd: {  	v5 =	vld [tilespmem:s8+$0x0];
	[tilespmem:s10+$0x0] =	vst v2  }
0xfe: {  	v6 =	vld [tilespmem:s16+$0xFFFFFFE0];
	[tilespmem:s10+$0xFFFFFFE0] =	vst v1  }
0xff: {  	v8 =	vld.idx.msk [tilespmem:v8+s9+$0x0], $0xffff  }
0x100: {  	v9 =	vld.idx.msk [tilespmem:v9+s9+$0x0], $0xffff  }
0x101: {  	v1 =	vld.idx.msk [tilespmem:v7+s9+$0x0], $0xffff  }
.Ltmp3:
0x102: {  	v2 =	vld.idx.msk [tilespmem:v4+s9+$0x0], $0xffff;
	(pc) =	sbr.rel @p1 .LBB2_9-.Ltmp3, $4  }
0x103: {  	v4 =	vld.idx.msk [tilespmem:v10+s9+$0x0], $0xffff  }
0x104: {  	v3 =	vld.idx.msk [tilespmem:v3+s9+$0x0], $0xffff  }
0x105: {  	v5 =	vld.idx.msk [tilespmem:v5+s9+$0x0], $0xffff  }
0x106: {  	s16 =	sadd.s32 $0x40, s16;
	v7 =	vsub.f32 v9, v8;
	v6 =	vld.idx.msk [tilespmem:v6+s9+$0x0], $0xffff  }
0x107: {  	_ =	sdelay $0x1  }
0x108: {  	s8 =	sadd.s32 $0x40, s10;
	v2 =	vsub.f32 v4, v2  }
0x109: {  	[tilespmem:s8+$0x10] =	vst v7;
	v3 =	vsub.f32 v5, v3  }
0x10a: {  	[tilespmem:s8+$0xFFFFFFF0] =	vst v2;
	v1 =	vsub.f32 v1, v6  }
0x10b: {  	[tilespmem:s8+$0x0] =	vst v3  }
0x10c: {  	[tilespmem:s8+$0xFFFFFFE0] =	vst v1  }
0x10d: {  	v1 =	vld [tilespmem:$0x18EC0]  }
0x10e: {  	v2 =	vld [tilespmem:$0x196C0];
	_ =	sdelay $0x6  }
0x10f: {  	v1 =	vld.idx.msk [tilespmem:v1+s9+$0x0], $0xffff  }
0x110: {  	v2 =	vld.idx.msk [tilespmem:v2+s9+$0x0], $0xffff;
	_ =	sdelay $0x4  }
0x111: {  	s16 =	sadd.s32 s11, s7;
	p1 =	seq.s32 s2, $0x18;
	v1 =	vsub.f32 v2, v1  }
0x112: {  	s7 =	sadd.s32 @!p1 s7, s18;
	s8 =	sshrl.u32 s16, $0x3  }
0x113: {  	s7 =	sshrl.u32 @!p1 s7, $0x3;
	s8 =	sadd.s32 s12, s8;
	[tilespmem:$0x1CEC0] =	vst v1  }
0x114: {  	[hbm4b:s8+s9] =	stream.linear.scatter [tilespmem:s29], [sflag:$0x5], $0x7D0, $0x38;
	[tilespmem:$0x1E700] =	vst v63  }
0x115: {  	s10 =	simm.s32 @!p1 $0x0;
	s15 =	simm.s32 @!p1 $0x18700;
	s8 =	sadd.s32 @!p1 s3, s7  }
0x116: {  	[tilespmem:s15], [sflag:$0x1] =	stream.linear.gather @!p1 [hbm4b:s8+s10], $0x7D0, $0x38;
	[tilespmem:$0x1E700] =	vst v63  }
0x117: {  	s7 =	sadd.s32 @!p1 s4, s7;
	s8 =	simm.s32 @!p1 $0x18F00  }
0x118: {  	[tilespmem:s8], [sflag:$0x1] =	stream.linear.gather @!p1 [hbm4b:s7+s10], $0x7D0, $0x38;
	[tilespmem:$0x1E700] =	vst v63  }
0x119: {  	_ =	swait.ge [sflag:s30], $0x7D0  }
0x11a: {  	[sflag:s30] =	ssyncset.done $0x0  }
0x11b: {  	[sflag:s30] =	ssyncadd.s32 $0xFFFFF830  }
0x11c: {  	_ =	swait.ge [sflag:s30], $0x7D0  }
0x11d: {  	[sflag:s30] =	ssyncset.done $0x0  }
0x11e: {  	s7 =	simm.s32 @!p0 $0x5;
	[sflag:s30] =	ssyncadd.s32 $0xFFFFF830  }
0x11f: {  	_ =	swait.ge @!p0 [sflag:s7], $0x7D0  }
0x120: {  	[sflag:s7] =	ssyncset.done @!p0 $0x0  }
0x121: {  	s10 =	simm.s32 $0x19720;
	[sflag:s7] =	ssyncadd.s32 @!p0 $0xFFFFF830  }
0x122: {  	s15 =	simm.s32 $0x19F20;
	v1 =	vld [tilespmem:s10+$0x10]  }
0x123: {  	v2 =	vld [tilespmem:s15+$0x10]  }
0x124: {  	v3 =	vld [tilespmem:s15+$0xFFFFFFE0]  }
0x125: {  	v4 =	vld [tilespmem:s10+$0xFFFFFFF0]  }
0x126: {  	v5 =	vld [tilespmem:s15+$0xFFFFFFF0]  }
0x127: {  	v6 =	vld [tilespmem:s10+$0x0]  }
0x128: {  	v7 =	vld [tilespmem:s15+$0x0]  }
0x129: {  	s16 =	simm.s32 $0x19760;
	v8 =	vld [tilespmem:s10+$0xFFFFFFE0]  }
0x12a: {  	s7 =	simm.s32 $0x19F60;
	v9 =	vld [tilespmem:s16+$0x10]  }
0x12b: {  	v10 =	vld [tilespmem:s7+$0x10]  }
0x12c: {  	v11 =	vld [tilespmem:s7+$0xFFFFFFE0]  }
0x12d: {  	v12 =	vld [tilespmem:s16+$0xFFFFFFF0]  }
0x12e: {  	v13 =	vld [tilespmem:s7+$0xFFFFFFF0]  }
0x12f: {  	v14 =	vld [tilespmem:s16+$0x0]  }
0x130: {  	v15 =	vld [tilespmem:s7+$0x0]  }
0x131: {  	v16 =	vld [tilespmem:s16+$0xFFFFFFE0]  }
0x132: {  	v1 =	vld.idx.msk [tilespmem:v1+s9+$0x0], $0xffff  }
0x133: {  	v2 =	vld.idx.msk [tilespmem:v2+s9+$0x0], $0xffff  }
0x134: {  	v3 =	vld.idx.msk [tilespmem:v3+s9+$0x0], $0xffff  }
0x135: {  	v4 =	vld.idx.msk [tilespmem:v4+s9+$0x0], $0xffff  }
0x136: {  	v5 =	vld.idx.msk [tilespmem:v5+s9+$0x0], $0xffff  }
0x137: {  	v6 =	vld.idx.msk [tilespmem:v6+s9+$0x0], $0xffff  }
0x138: {  	v7 =	vld.idx.msk [tilespmem:v7+s9+$0x0], $0xffff  }
0x139: {  	v8 =	vld.idx.msk [tilespmem:v8+s9+$0x0], $0xffff  }
0x13a: {  	v9 =	vld.idx.msk [tilespmem:v9+s9+$0x0], $0xffff  }
0x13b: {  	v10 =	vld.idx.msk [tilespmem:v10+s9+$0x0], $0xffff  }
0x13c: {  	v17 =	vsub.f32 v2, v1;
	v1 =	vld.idx.msk [tilespmem:v11+s9+$0x0], $0xffff  }
0x13d: {  	s8 =	simm.s32 $0x1DF20;
	v5 =	vsub.f32 v5, v4;
	v2 =	vld.idx.msk [tilespmem:v12+s9+$0x0], $0xffff  }
0x13e: {  	v6 =	vsub.f32 v7, v6;
	v4 =	vld.idx.msk [tilespmem:v13+s9+$0x0], $0xffff;
	[tilespmem:s8+$0x10] =	vst v17  }
0x13f: {  	v7 =	vsub.f32 v3, v8;
	v3 =	vld.idx.msk [tilespmem:v14+s9+$0x0], $0xffff;
	[tilespmem:s8+$0xFFFFFFF0] =	vst v5  }
0x140: {  	[tilespmem:s8+$0x0] =	vst v6;
	v5 =	vld.idx.msk [tilespmem:v15+s9+$0x0], $0xffff  }
0x141: {  	s10 =	simm.s32 $0x40;
	s15 =	simm.s32 $0x197A0;
	[tilespmem:s8+$0xFFFFFFE0] =	vst v7;
	v6 =	vld.idx.msk [tilespmem:v16+s9+$0x0], $0xffff;
	v7 =	vsub.f32 v10, v9  }
.LBB2_11:
0x142: {  	v8 =	vld [tilespmem:s15+$0x10];
	s7 =	sadd.s32 $0x40, s7;
	s8 =	sadd.s32 $0x40, s8  }
0x143: {  	s10 =	sadd.s32 $0x40, s10;
	v9 =	vld [tilespmem:s7+$0x10];
	[tilespmem:s8+$0x10] =	vst v7  }
0x144: {  	p0 =	slt.u32 s10, $0x780;
	v2 =	vsub.f32 v4, v2;
	v7 =	vld [tilespmem:s7+$0xFFFFFFE0]  }
0x145: {  	v4 =	vld [tilespmem:s15+$0xFFFFFFF0]  }
0x146: {  	v10 =	vld [tilespmem:s7+$0xFFFFFFF0];
	[tilespmem:s8+$0xFFFFFFF0] =	vst v2;
	v2 =	vsub.f32 v5, v3  }
0x147: {  	v1 =	vsub.f32 v1, v6;
	v3 =	vld [tilespmem:s15+$0x0]  }
0x148: {  	v5 =	vld [tilespmem:s7+$0x0];
	[tilespmem:s8+$0x0] =	vst v2  }
0x149: {  	v6 =	vld [tilespmem:s15+$0xFFFFFFE0];
	[tilespmem:s8+$0xFFFFFFE0] =	vst v1  }
0x14a: {  	v8 =	vld.idx.msk [tilespmem:v8+s9+$0x0], $0xffff  }
0x14b: {  	v9 =	vld.idx.msk [tilespmem:v9+s9+$0x0], $0xffff  }
0x14c: {  	v1 =	vld.idx.msk [tilespmem:v7+s9+$0x0], $0xffff  }
.Ltmp4:
0x14d: {  	v2 =	vld.idx.msk [tilespmem:v4+s9+$0x0], $0xffff;
	(pc) =	sbr.rel @p0 .LBB2_11-.Ltmp4, $4  }
0x14e: {  	v4 =	vld.idx.msk [tilespmem:v10+s9+$0x0], $0xffff  }
0x14f: {  	v3 =	vld.idx.msk [tilespmem:v3+s9+$0x0], $0xffff  }
0x150: {  	v5 =	vld.idx.msk [tilespmem:v5+s9+$0x0], $0xffff  }
0x151: {  	s15 =	sadd.s32 $0x40, s15;
	v7 =	vsub.f32 v9, v8;
	v6 =	vld.idx.msk [tilespmem:v6+s9+$0x0], $0xffff  }
0x152: {  	_ =	sdelay $0x1  }
0x153: {  	s7 =	sadd.s32 $0x40, s8;
	v2 =	vsub.f32 v4, v2  }
0x154: {  	[tilespmem:s7+$0x10] =	vst v7;
	v3 =	vsub.f32 v5, v3  }
0x155: {  	[tilespmem:s7+$0xFFFFFFF0] =	vst v2;
	v1 =	vsub.f32 v1, v6  }
0x156: {  	[tilespmem:s7+$0x0] =	vst v3  }
0x157: {  	[tilespmem:s7+$0xFFFFFFE0] =	vst v1  }
0x158: {  	v1 =	vld [tilespmem:$0x19EC0]  }
0x159: {  	v2 =	vld [tilespmem:$0x1A6C0];
	_ =	sdelay $0x6  }
0x15a: {  	v1 =	vld.idx.msk [tilespmem:v1+s9+$0x0], $0xffff  }
0x15b: {  	v2 =	vld.idx.msk [tilespmem:v2+s9+$0x0], $0xffff;
	_ =	sdelay $0x1  }
0x15c: {  	s2 =	sadd.s32 $0x1, s2  }
0x15d: {  	p0 =	sne.s32 s2, $0x19  }
.Ltmp5:
0x15e: {  	_ = 	snop;
	(pc) =	sbr.rel @p0 .LBB2_8-.Ltmp5, $3  }
0x15f: {  	v1 =	vsub.f32 v2, v1;
	_ =	sdelay $0x1  }
0x160: {  	s6 =	sadd.s32 s12, s6;
	[tilespmem:$0x1E6C0] =	vst v1  }
0x161: {  	[hbm4b:s6+s9] =	stream.linear.scatter [tilespmem:s31], [sflag:$0x5], $0x7D0, $0x38;
	[tilespmem:$0x1E700] =	vst v63  }
0x162: {  	_ =	swait.ge [sflag:s1], $0x7D0  }
0x163: {  	[sflag:s1] =	ssyncset.done $0x0  }
0x164: {  	[sflag:s1] =	ssyncadd.s32 $0xFFFFF830  }
0x165: {  	_ =	swait.ge [sflag:s1], $0x7D0  }
0x166: {  	[sflag:s1] =	ssyncset.done $0x0  }
0x167: {  	[sflag:s1] =	ssyncadd.s32 $0xFFFFF830  }
0x168: {  	s23 =	simm.s32 $0x0;
	s2 =	rddreg [dreg:$0x1]  }
0x169: {  	[tilespmem:s23], [sflag:$0x6] =	stream.linear.gather [hbm4b:s2+s23], $0x18700, $0x38;
	[tilespmem:$0x1E700] =	vst v63  }
0x16a: {  	_ =	swait.ge [sflag:s24], $0x18700  }
0x16b: {  	[sflag:s24] =	ssyncset.done $0x0  }
0x16c: {  	[sflag:s24] =	ssyncadd.s32 $0xFFFE7900  }
0x16d: {  	[tilespmem:s26], [sflag:$0x1] =	stream.linear.gather [hbm4b:s19+s23], $0x7D0, $0x38;
	[tilespmem:$0x1E700] =	vst v63  }
0x16e: {  	s19 =	simm.s32 $0x18F00  }
0x16f: {  	[tilespmem:s19], [sflag:$0x1] =	stream.linear.gather [hbm4b:s21+s23], $0x7D0, $0x38;
	[tilespmem:$0x1E700] =	vst v63  }
0x170: {  	s6 =	simm.s32 $0x1A700;
	s21 =	rddreg [dreg:$0xb]  }
0x171: {  	[tilespmem:s6], [sflag:$0x3] =	stream.linear.gather [hbm4b:s21+s23], $0x7D0, $0x38;
	[tilespmem:$0x1E700] =	vst v63  }
0x172: {  	s24 =	rddreg [dreg:$0xc];
	s26 =	simm.s32 $0x1AF00  }
0x173: {  	[tilespmem:s26], [sflag:$0x3] =	stream.linear.gather [hbm4b:s24+s23], $0x7D0, $0x38;
	[tilespmem:$0x1E700] =	vst v63  }
.LBB2_14:
0x174: {  	s15 =	smul.u32 $0xFA0, s23;
	_ =	sdelay $0x1  }
0x175: {  	s2 =	sadd.s32 s15, s17  }
0x176: {  	s24 =	sshrl.u32 s2, $0x3  }
0x177: {  	s26 =	smov.u32 s25;
	s6 =	simm.s32 $0x19700;
	s2 =	sadd.s32 s3, s24  }
0x178: {  	[tilespmem:s6], [sflag:$0x2] =	stream.linear.gather [hbm4b:s2+s9], $0x7D0, $0x38;
	[tilespmem:$0x1E700] =	vst v63  }
0x179: {  	s25 =	smov.u32 s22;
	s22 =	simm.s32 $0x19F00;
	s21 =	sadd.s32 s4, s24  }
0x17a: {  	[tilespmem:s22], [sflag:$0x2] =	stream.linear.gather [hbm4b:s21+s9], $0x7D0, $0x38;
	[tilespmem:$0x1E700] =	vst v63  }
0x17b: {  	s8 =	simm.s32 $0x1B700;
	s7 =	sadd.s32 s5, s24  }
0x17c: {  	[tilespmem:s8], [sflag:$0x4] =	stream.linear.gather [hbm4b:s7+s9], $0x7D0, $0x38;
	[tilespmem:$0x1E700] =	vst v63  }
0x17d: {  	s16 =	simm.s32 $0x1BF00;
	s10 =	sadd.s32 s12, s24  }
0x17e: {  	[tilespmem:s16], [sflag:$0x4] =	stream.linear.gather [hbm4b:s10+s9], $0x7D0, $0x38;
	[tilespmem:$0x1E700] =	vst v63  }
0x17f: {  	_ =	swait.ge [sflag:s28], $0x7D0  }
0x180: {  	[sflag:s28] =	ssyncset.done $0x0  }
0x181: {  	[sflag:s28] =	ssyncadd.s32 $0xFFFFF830  }
0x182: {  	_ =	swait.ge [sflag:s28], $0x7D0  }
0x183: {  	[sflag:s28] =	ssyncset.done $0x0  }
0x184: {  	[sflag:s28] =	ssyncadd.s32 $0xFFFFF830  }
0x185: {  	_ =	swait.ge [sflag:s0], $0x7D0  }
0x186: {  	[sflag:s0] =	ssyncset.done $0x0  }
0x187: {  	[sflag:s0] =	ssyncadd.s32 $0xFFFFF830  }
0x188: {  	_ =	swait.ge [sflag:s0], $0x7D0  }
0x189: {  	p0 =	seq.s32 s23, $0x0;
	[sflag:s0] =	ssyncset.done $0x0  }
0x18a: {  	s2 =	simm.s32 @!p0 $0x5;
	[sflag:s0] =	ssyncadd.s32 $0xFFFFF830  }
0x18b: {  	_ =	swait.ge @!p0 [sflag:s2], $0x7D0  }
0x18c: {  	[sflag:s2] =	ssyncset.done @!p0 $0x0  }
0x18d: {  	[sflag:s2] =	ssyncadd.s32 @!p0 $0xFFFFF830  }
0x18e: {  	_ =	swait.ge @!p0 [sflag:s2], $0x7D0  }
0x18f: {  	[sflag:s2] =	ssyncset.done @!p0 $0x0  }
0x190: {  	[sflag:s2] =	ssyncadd.s32 @!p0 $0xFFFFF830  }
0x191: {  	_ =	swait.ge @!p0 [sflag:s2], $0x7D0  }
0x192: {  	[sflag:s2] =	ssyncset.done @!p0 $0x0  }
0x193: {  	[sflag:s2] =	ssyncadd.s32 @!p0 $0xFFFFF830  }
0x194: {  	_ =	swait.ge @!p0 [sflag:s2], $0x7D0  }
0x195: {  	[sflag:s2] =	ssyncset.done @!p0 $0x0  }
0x196: {  	s19 =	simm.s32 $0x18720;
	[sflag:s2] =	ssyncadd.s32 @!p0 $0xFFFFF830  }
0x197: {  	s21 =	simm.s32 $0x18F20;
	v1 =	vld [tilespmem:s19+$0x10]  }
0x198: {  	v2 =	vld [tilespmem:s21+$0x10]  }
0x199: {  	v3 =	vld [tilespmem:s21+$0xFFFFFFE0]  }
0x19a: {  	v4 =	vld [tilespmem:s19+$0xFFFFFFF0]  }
0x19b: {  	v5 =	vld [tilespmem:s21+$0xFFFFFFF0]  }
0x19c: {  	v6 =	vld [tilespmem:s19+$0x0]  }
0x19d: {  	s7 =	simm.s32 $0x1A720;
	v7 =	vld [tilespmem:s21+$0x0]  }
0x19e: {  	s22 =	simm.s32 $0x1AF20;
	v8 =	vld [tilespmem:s7+$0x10]  }
0x19f: {  	v9 =	vld [tilespmem:s22+$0x10]  }
0x1a0: {  	v10 =	vld [tilespmem:s19+$0xFFFFFFE0]  }
0x1a1: {  	v13 =	vld [tilespmem:s22+$0xFFFFFFF0]  }
0x1a2: {  	s16 =	simm.s32 $0x18F60;
	v15 =	vld [tilespmem:s22+$0x0]  }
0x1a3: {  	s8 =	simm.s32 $0x18760;
	v26 =	vld [tilespmem:s16+$0xFFFFFFE0]  }
0x1a4: {  	v28 =	vld [tilespmem:s8+$0xFFFFFFF0];
	s21 =	simm.s32 $0x1AF60  }
0x1a5: {  	v45 =	vld [tilespmem:s21+$0xFFFFFFE0]  }
0x1a6: {  	v1 =	vld.idx.msk [tilespmem:v1+s9+$0x0], $0xffff  }
0x1a7: {  	v2 =	vld.idx.msk [tilespmem:v2+s9+$0x0], $0xffff  }
0x1a8: {  	v11 =	vld.idx.msk [tilespmem:v3+s9+$0x0], $0xffff  }
0x1a9: {  	v4 =	vld.idx.msk [tilespmem:v4+s9+$0x0], $0xffff  }
0x1aa: {  	v5 =	vld.idx.msk [tilespmem:v5+s9+$0x0], $0xffff  }
0x1ab: {  	v6 =	vld.idx.msk [tilespmem:v6+s9+$0x0], $0xffff  }
0x1ac: {  	v7 =	vld.idx.msk [tilespmem:v7+s9+$0x0], $0xffff  }
0x1ad: {  	v3 =	vsub.f32 v2, v1;
	v1 =	vmul.f32 v8, v8;
	v8 =	vld [tilespmem:s7+$0xFFFFFFE0]  }
0x1ae: {  	v2 =	vmul.f32 v9, v9;
	v9 =	vld [tilespmem:s22+$0xFFFFFFE0];
	s22 =	simm.s32 $0x1A760  }
0x1af: {  	v33 =	vld [tilespmem:s22+$0x10]  }
0x1b0: {  	v49 =	vld [tilespmem:s22+$0x0];
	v1 =	vadd.f32 v2, v1;
	v2 =	vmul.f32 v3, v3  }
0x1b1: {  	v36 =	vld.idx.msk [tilespmem:v26+s9+$0x0], $0xffff  }
0x1b2: {  	v13 =	vmul.f32 v13, v13;
	v38 =	vld.idx.msk [tilespmem:v28+s9+$0x0], $0xffff;
	v1 =	vadd.f32 v1, v2  }
0x1b3: {  	v28 =	vmul.f32 v45, v45;
	v2 =	vld.idx.msk [tilespmem:v10+s9+$0x0], $0xffff;
	v9 =	vmul.f32 v9, v9  }
0x1b4: {  	v10 =	vld [tilespmem:s7+$0xFFFFFFF0];
	v12 =	vmax.f32 v1, $9.999999960e-13;
	v1 =	vsub.f32 v5, v4;
	v4 =	vmul.f32 v8, v8  }
0x1b5: {  	v8 =	vld [tilespmem:s7+$0x0];
	v40 =	vmul.f32 v33, v33;
	v26 =	vmul.f32 v49, v49;
	v5 =	vshra.s32 v12, $0x1  }
0x1b6: {  	v14 =	vmul.f32 $3.999999910e-02, v12;
	v16 =	vmul.f32 $5.000000000e-01, v12;
	v18 =	vsub.s32 $0x5F3759DF, v5  }
0x1b7: {  	v5 =	vsub.f32 v7, v6;
	v6 =	vmul.f32 v1, v1;
	v4 =	vadd.f32 v9, v4  }
0x1b8: {  	v9 =	vmul.f32 v15, v15;
	v14 =	vmin.f32 v14, $1.000000000e+00;
	v19 =	vmul.f32 v18, v16  }
0x1b9: {  	v10 =	vmul.f32 v10, v10;
	v7 =	vsub.f32 v11, v2;
	v17 =	vmul.f32 $1.028713490e-02, v14  }
0x1ba: {  	vm0 =	vlt.f32 v12, $2.499999810e+01;
	v2 =	vmul.f32 v8, v8;
	v8 =	vmul.f32 v18, v19  }
0x1bb: {  	v10 =	vadd.f32 v13, v10;
	v13 =	vmul.f32 v7, v7;
	v17 =	vsub.f32 $1.147943140e-01, v17  }
0x1bc: {  	v15 =	vmul.f32 v5, v5;
	v8 =	vsub.f32 $1.500000000e+00, v8;
	v2 =	vadd.f32 v9, v2  }
0x1bd: {  	v4 =	vadd.f32 v4, v13;
	v6 =	vadd.f32 v10, v6;
	v11 =	vmul.f32 v17, v14  }
0x1be: {  	v29 =	vsel vm0, $0x1, v0;
	v10 =	vmul.f32 v18, v8;
	v2 =	vadd.f32 v2, v15  }
0x1bf: {  	v4 =	vmax.f32 v4, $9.999999960e-13;
	v6 =	vmax.f32 v6, $9.999999960e-13;
	v9 =	vadd.f32 $-6.661269060e-01, v11  }
0x1c0: {  	v13 =	vshra.s32 v4, $0x1;
	v15 =	vmul.f32 $3.999999910e-02, v6;
	v11 =	vmul.f32 v10, v16  }
0x1c1: {  	v19 =	vmul.f32 $5.000000000e-01, v4;
	vm2 =	vlt.f32 v4, $2.499999810e+01;
	v9 =	vmul.f32 v9, v14  }
0x1c2: {  	v8 =	vmax.f32 v2, $9.999999960e-13;
	v15 =	vmin.f32 v15, $1.000000000e+00;
	v11 =	vmul.f32 v11, v10  }
0x1c3: {  	v20 =	vmul.f32 $1.028713490e-02, v15;
	v2 =	vadd.f32 $2.028983830e+00, v9;
	v9 =	vmul.f32 $3.999999910e-02, v4  }
0x1c4: {  	v16 =	vshra.s32 v6, $0x1;
	v17 =	vmul.f32 $3.999999910e-02, v8;
	v22 =	vmul.f32 $5.000000000e-01, v8  }
0x1c5: {  	v11 =	vsub.f32 $1.500000000e+00, v11;
	v20 =	vsub.f32 $1.147943140e-01, v20;
	v9 =	vmin.f32 v9, $1.000000000e+00  }
0x1c6: {  	vm1 =	vlt.f32 v8, $2.499999810e+01;
	v2 =	vmul.f32 v2, v14;
	v18 =	vmul.f32 $1.028713490e-02, v9  }
0x1c7: {  	v17 =	vmin.f32 v17, $1.000000000e+00;
	v10 =	vmul.f32 v11, v10;
	v20 =	vmul.f32 v20, v15  }
0x1c8: {  	v21 =	vmul.f32 $1.028713490e-02, v17;
	v2 =	vadd.f32 $-2.467364070e+00, v2;
	v11 =	vsub.f32 $1.147943140e-01, v18  }
0x1c9: {  	v18 =	vshra.s32 v8, $0x1;
	v10 =	vmul.f32 v10, v12;
	v20 =	vadd.f32 $-6.661269060e-01, v20  }
0x1ca: {  	v23 =	vld [tilespmem:s8+$0x10];
	v2 =	vmul.f32 v2, v14;
	v14 =	vmul.f32 $5.000000000e-01, v6;
	v18 =	vsub.s32 $0x5F3759DF, v18  }
0x1cb: {  	v24 =	vld [tilespmem:s16+$0x10];
	v21 =	vsub.f32 $1.147943140e-01, v21;
	v27 =	vmul.f32 v18, v22;
	v20 =	vmul.f32 v20, v15  }
0x1cc: {  	v12 =	vsub.s32 $0x5F3759DF, v13;
	v13 =	vsub.s32 $0x5F3759DF, v16;
	v2 =	vadd.f32 $9.999991050e-01, v2  }
0x1cd: {  	v25 =	vmul.f32 v13, v14;
	v27 =	vmul.f32 v18, v27;
	v20 =	vadd.f32 $2.028983830e+00, v20  }
0x1ce: {  	v16 =	vnsel vm0, $0x0, v2;
	v2 =	vmul.f32 v11, v9;
	v11 =	vmul.f32 v12, v19  }
0x1cf: {  	v21 =	vmul.f32 v21, v17;
	v25 =	vmul.f32 v13, v25;
	v27 =	vsub.f32 $1.500000000e+00, v27  }
0x1d0: {  	v30 =	vld [tilespmem:s16+$0xFFFFFFF0];
	v20 =	vmul.f32 v20, v15;
	v2 =	vadd.f32 $-6.661269060e-01, v2;
	v11 =	vmul.f32 v12, v11  }
0x1d1: {  	v61 =	vld [tilespmem:s21+$0x10];
	v21 =	vadd.f32 $-6.661269060e-01, v21;
	v25 =	vsub.f32 $1.500000000e+00, v25;
	v18 =	vmul.f32 v18, v27  }
0x1d2: {  	v23 =	vld.idx.msk [tilespmem:v23+s9+$0x0], $0xffff;
	v20 =	vadd.f32 $-2.467364070e+00, v20;
	v2 =	vmul.f32 v2, v9;
	v11 =	vsub.f32 $1.500000000e+00, v11  }
0x1d3: {  	v24 =	vld.idx.msk [tilespmem:v24+s9+$0x0], $0xffff;
	vm0 =	vlt.f32 v6, $2.499999810e+01;
	v13 =	vmul.f32 v13, v25;
	v22 =	vmul.f32 v18, v22  }
0x1d4: {  	v63 =	vld [tilespmem:s8+$0xFFFFFFE0];
	v15 =	vmul.f32 v20, v15;
	v20 =	vsel vm0, $0x1, v0;
	v12 =	vmul.f32 v12, v11  }
0x1d5: {  	v31 =	vld [tilespmem:s8+$0x0];
	v2 =	vadd.f32 $2.028983830e+00, v2;
	v11 =	vmul.f32 v21, v17;
	v14 =	vmul.f32 v13, v14  }
0x1d6: {  	v47 =	vld [tilespmem:s21+$0xFFFFFFF0];
	v21 =	vmul.f32 v61, v61;
	v22 =	vmul.f32 v22, v18;
	v15 =	vadd.f32 $9.999991050e-01, v15  }
0x1d7: {  	v32 =	vld [tilespmem:s16+$0x0];
	v2 =	vmul.f32 v2, v9;
	v62 =	vadd.f32 $2.028983830e+00, v11;
	v19 =	vmul.f32 v12, v19  }
0x1d8: {  	v11 =	vsub.f32 v24, v23;
	v14 =	vmul.f32 v14, v13;
	v21 =	vadd.f32 v21, v40  }
0x1d9: {  	v22 =	vsub.f32 $1.500000000e+00, v22;
	v15 =	vnsel vm0, $0x0, v15;
	v37 =	vmul.f32 v62, v17  }
0x1da: {  	v39 =	vld.idx.msk [tilespmem:v30+s9+$0x0], $0xffff;
	v2 =	vadd.f32 $-2.467364070e+00, v2;
	v19 =	vmul.f32 v19, v12;
	v43 =	vmul.f32 v11, v11  }
0x1db: {  	v44 =	vld [tilespmem:s22+$0xFFFFFFE0];
	v14 =	vsub.f32 $1.500000000e+00, v14;
	v18 =	vmul.f32 v22, v18;
	v22 =	vmul.f32 v47, v47  }
0x1dc: {  	v27 =	vld.idx.msk [tilespmem:v63+s9+$0x0], $0xffff;
	v2 =	vmul.f32 v2, v9;
	v24 =	vadd.f32 $-2.467364070e+00, v37;
	v21 =	vadd.f32 v21, v43  }
0x1dd: {  	v50 =	vld [tilespmem:s21+$0x0];
	v9 =	vsel vm2, $0x1, v0;
	v19 =	vsub.f32 $1.500000000e+00, v19;
	v13 =	vmul.f32 v14, v13  }
0x1de: {  	v41 =	vld.idx.msk [tilespmem:v31+s9+$0x0], $0xffff;
	v18 =	vmul.f32 v18, v8;
	v17 =	vmul.f32 v24, v17;
	v21 =	vmax.f32 v21, $9.999999960e-13  }
0x1df: {  	v42 =	vld.idx.msk [tilespmem:v32+s9+$0x0], $0xffff;
	v12 =	vmul.f32 v19, v12;
	v19 =	vsel vm1, $0x1, v0;
	v48 =	vmul.f32 $3.999999910e-02, v21  }
0x1e0: {  	v14 =	vld [tilespmem:s22+$0xFFFFFFF0];
	v46 =	vadd.f32 $9.999991050e-01, v2;
	v2 =	vsub.f32 v39, v38;
	v24 =	vmul.f32 v44, v44  }
0x1e1: {  	v13 =	vmul.f32 v13, v6;
	v6 =	vsub.f32 v36, v27;
	v25 =	vmin.f32 v48, $1.000000000e+00  }
0x1e2: {  	v52 =	vshra.s32 v21, $0x1;
	v54 =	vmul.f32 $5.000000000e-01, v21;
	v53 =	vmul.f32 $1.028713490e-02, v25  }
0x1e3: {  	vm0 =	vlt.f32 v21, $2.499999810e+01;
	v12 =	vmul.f32 v12, v4;
	v55 =	vsub.s32 $0x5F3759DF, v52  }
0x1e4: {  	s10 =	simm.s32 $0x1DF20;
	v4 =	vsub.f32 v42, v41;
	v57 =	vmul.f32 v55, v54;
	v56 =	vsub.f32 $1.147943140e-01, v53  }
0x1e5: {  	s19 =	simm.s32 $0x1C720;
	[tilespmem:s10+$0x10] =	vst v3;
	v3 =	vadd.f32 $9.999991050e-01, v17;
	v17 =	vmul.f32 v50, v50;
	v14 =	vmul.f32 v14, v14  }
0x1e6: {  	s8 =	simm.s32 $0x1CF20;
	[tilespmem:s19+$0x10] =	vst v10;
	v24 =	vadd.f32 v28, v24;
	v59 =	vmul.f32 v55, v57;
	v58 =	vmul.f32 v56, v25  }
0x1e7: {  	[tilespmem:s8+$0x10] =	vst v16;
	v16 =	vadd.f32 v17, v26;
	v17 =	vmul.f32 v6, v6;
	v10 =	vadd.f32 v22, v14  }
0x1e8: {  	[tilespmem:s10+$0xFFFFFFF0] =	vst v1;
	v14 =	vmul.f32 v2, v2;
	v22 =	vsub.f32 $1.500000000e+00, v59;
	v60 =	vadd.f32 $-6.661269060e-01, v58  }
0x1e9: {  	[tilespmem:s10+$0xFFFFFFE0] =	vst v7;
	v51 =	vnsel vm2, $0x0, v46;
	v8 =	vmul.f32 v4, v4;
	v7 =	vadd.f32 v24, v17  }
0x1ea: {  	[tilespmem:s10+$0x0] =	vst v5;
	v10 =	vadd.f32 v10, v14;
	v22 =	vmul.f32 v55, v22;
	v17 =	vmul.f32 v60, v25  }
0x1eb: {  	[tilespmem:s19+$0x0] =	vst v18;
	v1 =	vadd.f32 v16, v8;
	v14 =	vnsel vm1, $0x0, v3;
	v5 =	vmax.f32 v7, $9.999999960e-13  }
0x1ec: {  	[tilespmem:s19+$0xFFFFFFF0] =	vst v13;
	v3 =	vmax.f32 v10, $9.999999960e-13;
	v8 =	vmul.f32 v22, v54;
	v7 =	vadd.f32 $2.028983830e+00, v17  }
0x1ed: {  	[tilespmem:s19+$0xFFFFFFE0] =	vst v12;
	v1 =	vmax.f32 v1, $9.999999960e-13;
	v10 =	vmul.f32 $3.999999910e-02, v5;
	v12 =	vmul.f32 $3.999999910e-02, v3  }
0x1ee: {  	s6 =	simm.s32 $0x1D720;
	[tilespmem:s8+$0xFFFFFFF0] =	vst v15;
	v61 =	vshra.s32 v5, $0x1;
	v8 =	vmul.f32 v8, v22;
	v16 =	vmul.f32 v7, v25  }
0x1ef: {  	[tilespmem:s6+$0xFFFFFFF0] =	vst v20;
	v18 =	vshra.s32 v1, $0x1;
	v20 =	vshra.s32 v3, $0x1;
	v7 =	vmin.f32 v12, $1.000000000e+00  }
0x1f0: {  	[tilespmem:s8+$0xFFFFFFE0] =	vst v51;
	v12 =	vmul.f32 $3.999999910e-02, v1;
	v13 =	vadd.f32 $-2.467364070e+00, v16;
	v16 =	vsub.f32 $1.500000000e+00, v8  }
0x1f1: {  	[tilespmem:s6+$0xFFFFFFE0] =	vst v9;
	v9 =	vmin.f32 v10, $1.000000000e+00;
	v10 =	vmul.f32 $5.000000000e-01, v5;
	v17 =	vmul.f32 $1.028713490e-02, v7  }
0x1f2: {  	[tilespmem:s6+$0x10] =	vst v29;
	v8 =	vmin.f32 v12, $1.000000000e+00;
	v12 =	vmul.f32 v13, v25;
	v13 =	vmul.f32 v16, v22  }
0x1f3: {  	[tilespmem:s8+$0x0] =	vst v14;
	v14 =	vsub.s32 $0x5F3759DF, v61;
	v15 =	vmul.f32 $1.028713490e-02, v9;
	v62 =	vmul.f32 $1.028713490e-02, v8  }
0x1f4: {  	s8 =	simm.s32 $0x1DF60;
	[tilespmem:s6+$0x0] =	vst v19;
	v17 =	vsub.f32 $1.147943140e-01, v17;
	v63 =	vadd.f32 $9.999991050e-01, v12;
	v19 =	vmul.f32 v13, v21  }
0x1f5: {  	s2 =	simm.s32 $0x1C760;
	[tilespmem:s8+$0x10] =	vst v11;
	v11 =	vsub.s32 $0x5F3759DF, v20;
	v16 =	vsub.f32 $1.147943140e-01, v15;
	v15 =	vsub.f32 $1.147943140e-01, v62  }
0x1f6: {  	s7 =	simm.s32 $0x1CF60;
	s10 =	simm.s32 $0x40;
	s19 =	simm.s32 $0x187A0;
	v13 =	vmul.f32 $5.000000000e-01, v3;
	v12 =	vmul.f32 $5.000000000e-01, v1;
	[tilespmem:s2+$0x10] =	vst v19;
	v19 =	vnsel vm0, $0x0, v63  }
.LBB2_15:
0x1f7: {  	v20 =	vld [tilespmem:s19+$0x10];
	v21 =	vmul.f32 v14, v10;
	v18 =	vsub.s32 $0x5F3759DF, v18;
	[tilespmem:s7+$0x10] =	vst v19;
	v19 =	vsel vm0, $0x1, v0;
	s16 =	sadd.s32 $0x40, s16;
	s6 =	sadd.s32 $0x40, s6  }
0x1f8: {  	vm2 =	vlt.f32 v5, $2.499999810e+01;
	v23 =	vmul.f32 v11, v13;
	v22 =	vld [tilespmem:s16+$0x10];
	v24 =	vmul.f32 v18, v12;
	[tilespmem:s6+$0x10] =	vst v19  }
0x1f9: {  	s10 =	sadd.s32 $0x40, s10;
	v16 =	vmul.f32 v16, v9;
	vm0 =	vlt.f32 v3, $2.499999810e+01;
	v19 =	vld [tilespmem:s16+$0xFFFFFFE0];
	[tilespmem:s8+$0xFFFFFFE0] =	vst v6;
	v6 =	vmul.f32 v17, v7  }
0x1fa: {  	vm1 =	vlt.f32 v1, $2.499999810e+01;
	v15 =	vmul.f32 v15, v8;
	p0 =	slt.u32 s10, $0x780;
	v21 =	vmul.f32 v14, v21;
	v17 =	vld [tilespmem:s19+$0xFFFFFFF0];
	[tilespmem:s8+$0x0] =	vst v4  }
0x1fb: {  	v16 =	vadd.f32 $-6.661269060e-01, v16;
	v23 =	vmul.f32 v11, v23;
	v4 =	vld [tilespmem:s16+$0xFFFFFFF0];
	[tilespmem:s8+$0xFFFFFFF0] =	vst v2;
	v2 =	vmul.f32 v18, v24  }
0x1fc: {  	v25 =	vsel vm2, $0x1, v0;
	v15 =	vadd.f32 $-6.661269060e-01, v15;
	v6 =	vadd.f32 $-6.661269060e-01, v6;
	v24 =	vld [tilespmem:s19+$0x0]  }
0x1fd: {  	s22 =	sadd.s32 $0x40, s22;
	v21 =	vsub.f32 $1.500000000e+00, v21;
	v16 =	vmul.f32 v16, v9;
	v23 =	vsub.f32 $1.500000000e+00, v23;
	v26 =	vld [tilespmem:s16+$0x0]  }
0x1fe: {  	v15 =	vmul.f32 v15, v8;
	v6 =	vmul.f32 v6, v7;
	v2 =	vsub.f32 $1.500000000e+00, v2;
	v27 =	vld [tilespmem:s22+$0x10]  }
0x1ff: {  	v14 =	vmul.f32 v14, v21;
	v16 =	vadd.f32 $2.028983830e+00, v16;
	v21 =	vmul.f32 v11, v23;
	v20 =	vld.idx.msk [tilespmem:v20+s9+$0x0], $0xffff  }
0x200: {  	s21 =	sadd.s32 $0x40, s21;
	v6 =	vadd.f32 $2.028983830e+00, v6;
	v18 =	vmul.f32 v18, v2;
	v2 =	vadd.f32 $2.028983830e+00, v15;
	v11 =	vld.idx.msk [tilespmem:v22+s9+$0x0], $0xffff  }
0x201: {  	v10 =	vmul.f32 v14, v10;
	v13 =	vmul.f32 v21, v13;
	v22 =	vsel vm0, $0x1, v0;
	v15 =	vld [tilespmem:s21+$0x10]  }
0x202: {  	v28 =	vsel vm1, $0x1, v0;
	v16 =	vmul.f32 v16, v9;
	v12 =	vmul.f32 v18, v12;
	v23 =	vld [tilespmem:s19+$0xFFFFFFE0]  }
0x203: {  	v6 =	vmul.f32 v6, v7;
	v2 =	vmul.f32 v2, v8;
	v19 =	vld.idx.msk [tilespmem:v19+s9+$0x0], $0xffff  }
0x204: {  	v10 =	vmul.f32 v10, v14;
	v16 =	vadd.f32 $-2.467364070e+00, v16;
	v13 =	vmul.f32 v13, v21;
	v17 =	vld.idx.msk [tilespmem:v17+s9+$0x0], $0xffff  }
0x205: {  	v6 =	vadd.f32 $-2.467364070e+00, v6;
	v12 =	vmul.f32 v12, v18;
	v2 =	vadd.f32 $-2.467364070e+00, v2;
	v4 =	vld.idx.msk [tilespmem:v4+s9+$0x0], $0xffff  }
0x206: {  	v11 =	vsub.f32 v11, v20;
	v20 =	vmul.f32 v27, v27;
	v24 =	vld.idx.msk [tilespmem:v24+s9+$0x0], $0xffff;
	v15 =	vmul.f32 v15, v15  }
0x207: {  	v10 =	vsub.f32 $1.500000000e+00, v10;
	v9 =	vmul.f32 v16, v9;
	v13 =	vsub.f32 $1.500000000e+00, v13;
	v26 =	vld.idx.msk [tilespmem:v26+s9+$0x0], $0xffff  }
0x208: {  	v12 =	vsub.f32 $1.500000000e+00, v12;
	v16 =	vld [tilespmem:s22+$0xFFFFFFE0];
	v15 =	vadd.f32 v15, v20;
	v20 =	vmul.f32 v11, v11  }
0x209: {  	v9 =	vadd.f32 $9.999991050e-01, v9;
	v6 =	vmul.f32 v6, v7;
	v7 =	vmul.f32 v2, v8;
	v27 =	vld [tilespmem:s21+$0xFFFFFFE0]  }
0x20a: {  	v10 =	vmul.f32 v10, v14;
	v13 =	vmul.f32 v13, v21;
	v8 =	vld.idx.msk [tilespmem:v23+s9+$0x0], $0xffff;
	v15 =	vadd.f32 v15, v20  }
0x20b: {  	v12 =	vmul.f32 v12, v18;
	v2 =	vsub.f32 v4, v17;
	v17 =	vadd.f32 $9.999991050e-01, v6;
	v14 =	vld [tilespmem:s22+$0xFFFFFFF0]  }
0x20c: {  	v5 =	vmul.f32 v10, v5;
	v7 =	vadd.f32 $9.999991050e-01, v7;
	v18 =	vld [tilespmem:s21+$0xFFFFFFF0];
	v20 =	vmax.f32 v15, $9.999999960e-13  }
0x20d: {  	v4 =	vsub.f32 v26, v24;
	v10 =	vmul.f32 v16, v16;
	v15 =	vld [tilespmem:s22+$0x0];
	v6 =	vmul.f32 $3.999999910e-02, v20  }
0x20e: {  	v21 =	vmul.f32 v2, v2;
	v16 =	vmul.f32 v27, v27;
	v23 =	vld [tilespmem:s21+$0x0];
	[tilespmem:s2+$0xFFFFFFE0] =	vst v5;
	v5 =	vnsel vm2, $0x0, v9  }
0x20f: {  	v3 =	vmul.f32 v13, v3;
	v9 =	vmul.f32 v4, v4;
	v24 =	vmin.f32 v6, $1.000000000e+00;
	[tilespmem:s7+$0xFFFFFFE0] =	vst v5  }
0x210: {  	v13 =	vmul.f32 $5.000000000e-01, v20;
	v5 =	vshra.s32 v20, $0x1;
	v26 =	vmul.f32 $1.028713490e-02, v24;
	[tilespmem:s6+$0xFFFFFFE0] =	vst v25  }
0x211: {  	v6 =	vsub.f32 v19, v8;
	v8 =	vmul.f32 v14, v14;
	v5 =	vsub.s32 $0x5F3759DF, v5;
	[tilespmem:s2+$0xFFFFFFF0] =	vst v3  }
0x212: {  	v3 =	vmul.f32 v18, v18;
	v14 =	vmul.f32 v5, v13;
	v18 =	vsub.f32 $1.147943140e-01, v26  }
0x213: {  	v10 =	vadd.f32 v16, v10;
	v15 =	vmul.f32 v15, v15;
	v16 =	vmul.f32 v23, v23  }
0x214: {  	v3 =	vadd.f32 v3, v8;
	v8 =	vmul.f32 v5, v14;
	v14 =	vmul.f32 v18, v24  }
0x215: {  	v1 =	vmul.f32 v12, v1;
	v18 =	vmul.f32 v6, v6;
	v15 =	vadd.f32 v16, v15  }
0x216: {  	v8 =	vsub.f32 $1.500000000e+00, v8;
	v12 =	vadd.f32 $-6.661269060e-01, v14;
	v14 =	vnsel vm0, $0x0, v17  }
0x217: {  	v7 =	vnsel vm1, $0x0, v7;
	v3 =	vadd.f32 v3, v21;
	v10 =	vadd.f32 v10, v18;
	[tilespmem:s7+$0xFFFFFFF0] =	vst v14  }
0x218: {  	v9 =	vadd.f32 v15, v9;
	v14 =	vmul.f32 v5, v8;
	v8 =	vmul.f32 v12, v24;
	[tilespmem:s6+$0xFFFFFFF0] =	vst v22  }
0x219: {  	v3 =	vmax.f32 v3, $9.999999960e-13;
	v5 =	vmax.f32 v10, $9.999999960e-13;
	[tilespmem:s2+$0x0] =	vst v1  }
0x21a: {  	v1 =	vmax.f32 v9, $9.999999960e-13;
	v9 =	vmul.f32 v14, v13;
	v8 =	vadd.f32 $2.028983830e+00, v8;
	[tilespmem:s7+$0x0] =	vst v7  }
0x21b: {  	v10 =	vmul.f32 $3.999999910e-02, v3;
	v19 =	vshra.s32 v5, $0x1;
	v7 =	vmul.f32 $3.999999910e-02, v5;
	[tilespmem:s6+$0x0] =	vst v28  }
0x21c: {  	v21 =	vshra.s32 v3, $0x1;
	v12 =	vmul.f32 v9, v14;
	v8 =	vmul.f32 v8, v24  }
0x21d: {  	v13 =	vmul.f32 $3.999999910e-02, v1;
	v9 =	vmin.f32 v7, $1.000000000e+00;
	v7 =	vmin.f32 v10, $1.000000000e+00  }
0x21e: {  	v15 =	vmul.f32 $1.028713490e-02, v9;
	v12 =	vsub.f32 $1.500000000e+00, v12;
	v16 =	vadd.f32 $-2.467364070e+00, v8  }
0x21f: {  	v10 =	vmul.f32 $5.000000000e-01, v5;
	v17 =	vmul.f32 $1.028713490e-02, v7;
	v8 =	vmin.f32 v13, $1.000000000e+00  }
.Ltmp6:
0x220: {  	v18 =	vshra.s32 v1, $0x1;
	v14 =	vmul.f32 v12, v14;
	v22 =	vmul.f32 v16, v24;
	(pc) =	sbr.rel @p0 .LBB2_15-.Ltmp6, $4  }
0x221: {  	v13 =	vmul.f32 $5.000000000e-01, v3;
	v16 =	vsub.f32 $1.147943140e-01, v15;
	v15 =	vmul.f32 $1.028713490e-02, v8  }
0x222: {  	s8 =	sadd.s32 $0x40, s8;
	v12 =	vmul.f32 $5.000000000e-01, v1;
	v23 =	vmul.f32 v14, v20;
	v22 =	vadd.f32 $9.999991050e-01, v22  }
0x223: {  	vm0 =	vlt.f32 v20, $2.499999810e+01;
	s2 =	sadd.s32 $0x40, s2;
	v17 =	vsub.f32 $1.147943140e-01, v17;
	v15 =	vsub.f32 $1.147943140e-01, v15;
	[tilespmem:s8+$0x10] =	vst v11  }
0x224: {  	s19 =	sadd.s32 $0x40, s19;
	s7 =	sadd.s32 $0x40, s7;
	v14 =	vsub.s32 $0x5F3759DF, v19;
	v11 =	vsub.s32 $0x5F3759DF, v21;
	[tilespmem:s2+$0x10] =	vst v23;
	v19 =	vnsel vm0, $0x0, v22  }
0x225: {  	v20 =	vmul.f32 v14, v10  }
0x226: {  	v18 =	vsub.s32 $0x5F3759DF, v18;
	v16 =	vmul.f32 v16, v9;
	v17 =	vmul.f32 v17, v7  }
0x227: {  	v22 =	vmul.f32 v18, v12;
	v20 =	vmul.f32 v14, v20  }
0x228: {  	v21 =	vmul.f32 v11, v13;
	v15 =	vmul.f32 v15, v8;
	v16 =	vadd.f32 $-6.661269060e-01, v16  }
0x229: {  	v17 =	vadd.f32 $-6.661269060e-01, v17;
	v22 =	vmul.f32 v18, v22;
	v20 =	vsub.f32 $1.500000000e+00, v20  }
0x22a: {  	v21 =	vmul.f32 v11, v21;
	v15 =	vadd.f32 $-6.661269060e-01, v15;
	v16 =	vmul.f32 v16, v9  }
0x22b: {  	v17 =	vmul.f32 v17, v7;
	v58 =	vsub.f32 $1.500000000e+00, v22;
	v14 =	vmul.f32 v14, v20  }
0x22c: {  	v15 =	vmul.f32 v15, v8;
	v20 =	vsub.f32 $1.500000000e+00, v21;
	v16 =	vadd.f32 $2.028983830e+00, v16  }
0x22d: {  	v18 =	vmul.f32 v18, v58;
	v10 =	vmul.f32 v14, v10  }
0x22e: {  	v11 =	vmul.f32 v11, v20;
	v16 =	vmul.f32 v16, v9  }
0x22f: {  	v12 =	vmul.f32 v18, v12;
	v10 =	vmul.f32 v10, v14  }
0x230: {  	v17 =	vadd.f32 $2.028983830e+00, v17;
	v15 =	vadd.f32 $2.028983830e+00, v15;
	v13 =	vmul.f32 v11, v13  }
0x231: {  	[tilespmem:s8+$0x0] =	vst v4;
	v16 =	vadd.f32 $-2.467364070e+00, v16;
	v4 =	vmul.f32 v12, v18;
	v10 =	vsub.f32 $1.500000000e+00, v10  }
0x232: {  	v20 =	vsel vm0, $0x1, v0;
	v17 =	vmul.f32 v17, v7;
	v13 =	vmul.f32 v13, v11  }
0x233: {  	[tilespmem:s7+$0x10] =	vst v19;
	v9 =	vmul.f32 v16, v9;
	v4 =	vsub.f32 $1.500000000e+00, v4;
	v10 =	vmul.f32 v10, v14  }
0x234: {  	[tilespmem:s8+$0xFFFFFFE0] =	vst v6;
	v6 =	vmul.f32 v15, v8;
	v14 =	vadd.f32 $-2.467364070e+00, v17;
	v13 =	vsub.f32 $1.500000000e+00, v13  }
0x235: {  	s6 =	sadd.s32 $0x40, s6;
	[tilespmem:s8+$0xFFFFFFF0] =	vst v2;
	v9 =	vadd.f32 $9.999991050e-01, v9;
	v4 =	vmul.f32 v4, v18;
	v10 =	vmul.f32 v10, v5  }
0x236: {  	vm0 =	vlt.f32 v5, $2.499999810e+01;
	[tilespmem:s6+$0x10] =	vst v20;
	v6 =	vadd.f32 $-2.467364070e+00, v6;
	v2 =	vmul.f32 v14, v7  }
0x237: {  	v5 =	vmul.f32 v13, v11;
	v7 =	vnsel vm0, $0x0, v9;
	v4 =	vmul.f32 v4, v1;
	[tilespmem:s2+$0xFFFFFFE0] =	vst v10  }
0x238: {  	v9 =	vsel vm0, $0x1, v0;
	vm0 =	vlt.f32 v3, $2.499999810e+01;
	[tilespmem:s7+$0xFFFFFFE0] =	vst v7  }
0x239: {  	v2 =	vadd.f32 $9.999991050e-01, v2;
	v5 =	vmul.f32 v5, v3;
	v3 =	vmul.f32 v6, v8;
	[tilespmem:s2+$0x0] =	vst v4  }
0x23a: {  	[tilespmem:s6+$0xFFFFFFE0] =	vst v9  }
0x23b: {  	[tilespmem:s2+$0xFFFFFFF0] =	vst v5;
	v2 =	vnsel vm0, $0x0, v2;
	v3 =	vadd.f32 $9.999991050e-01, v3  }
0x23c: {  	v5 =	vsel vm0, $0x1, v0;
	vm0 =	vlt.f32 v1, $2.499999810e+01;
	[tilespmem:s7+$0xFFFFFFF0] =	vst v2  }
0x23d: {  	[tilespmem:s6+$0xFFFFFFF0] =	vst v5;
	v1 =	vnsel vm0, $0x0, v3  }
0x23e: {  	v2 =	vsel vm0, $0x1, v0;
	[tilespmem:s7+$0x0] =	vst v1  }
0x23f: {  	[tilespmem:s6+$0x0] =	vst v2  }
0x240: {  	v1 =	vld [tilespmem:$0x18EC0]  }
0x241: {  	v2 =	vld [tilespmem:$0x196C0];
	_ =	sdelay $0x4  }
0x242: {  	v3 =	vld [tilespmem:$0x1AEC0]  }
0x243: {  	v4 =	vld [tilespmem:$0x1B6C0]  }
0x244: {  	v1 =	vld.idx.msk [tilespmem:v1+s9+$0x0], $0xffff  }
0x245: {  	v2 =	vld.idx.msk [tilespmem:v2+s9+$0x0], $0xffff;
	_ =	sdelay $0x4  }
0x246: {  	v1 =	vsub.f32 v2, v1;
	v2 =	vmul.f32 v3, v3;
	v3 =	vmul.f32 v4, v4;
	_ =	sdelay $0x1  }
0x247: {  	v2 =	vadd.f32 v3, v2;
	v3 =	vmul.f32 v1, v1;
	_ =	sdelay $0x1  }
0x248: {  	v2 =	vadd.f32 v2, v3;
	_ =	sdelay $0x1  }
0x249: {  	v2 =	vmax.f32 v2, $9.999999960e-13  }
0x24a: {  	v3 =	vmul.f32 $3.999999910e-02, v2;
	_ =	sdelay $0x1  }
0x24b: {  	v3 =	vmin.f32 v3, $1.000000000e+00  }
0x24c: {  	v4 =	vshra.s32 v2, $0x1;
	v5 =	vmul.f32 $5.000000000e-01, v2;
	v6 =	vmul.f32 $-1.028713490e-02, v3  }
0x24d: {  	v4 =	vsub.s32 $0x5F3759DF, v4  }
0x24e: {  	v7 =	vmul.f32 v4, v5;
	v6 =	vadd.f32 $1.147943140e-01, v6;
	_ =	sdelay $0x1  }
0x24f: {  	v7 =	vmul.f32 v4, v7;
	v6 =	vmul.f32 v6, v3;
	_ =	sdelay $0x1  }
0x250: {  	v7 =	vsub.f32 $1.500000000e+00, v7;
	v6 =	vadd.f32 $-6.661269060e-01, v6;
	_ =	sdelay $0x1  }
0x251: {  	v4 =	vmul.f32 v4, v7;
	v6 =	vmul.f32 v6, v3;
	_ =	sdelay $0x1  }
0x252: {  	v5 =	vmul.f32 v4, v5;
	v6 =	vadd.f32 $2.028983830e+00, v6;
	_ =	sdelay $0x1  }
0x253: {  	v5 =	vmul.f32 v5, v4;
	v6 =	vmul.f32 v6, v3;
	_ =	sdelay $0x1  }
0x254: {  	v5 =	vsub.f32 $1.500000000e+00, v5;
	v6 =	vadd.f32 $-2.467364070e+00, v6;
	_ =	sdelay $0x1  }
0x255: {  	v4 =	vmul.f32 v5, v4;
	v3 =	vmul.f32 v6, v3;
	_ =	sdelay $0x1  }
0x256: {  	v4 =	vmul.f32 v4, v2;
	v3 =	vadd.f32 $9.999991050e-01, v3  }
0x257: {  	[tilespmem:$0x1E6C0] =	vst v1;
	vm0 =	vlt.f32 v2, $2.499999810e+01  }
0x258: {  	s21 =	sadd.s32 s11, s15;
	[tilespmem:$0x1CEC0] =	vst v4;
	v1 =	vnsel vm0, $0x0, v3  }
0x259: {  	s2 =	sshrl.u32 s21, $0x3;
	[tilespmem:$0x1D6C0] =	vst v1;
	v1 =	vsel vm0, $0x1, v0  }
0x25a: {  	s22 =	sadd.s32 s13, s2;
	[tilespmem:$0x1DEC0] =	vst v1  }
0x25b: {  	[hbm4b:s22+s9] =	stream.linear.scatter [tilespmem:s31], [sflag:$0x5], $0x7D0, $0x38;
	[tilespmem:$0x1E700] =	vst v63  }
0x25c: {  	s22 =	smov.u32 s25;
	s25 =	sadd.s32 s25, s2  }
0x25d: {  	[hbm4b:s25+s9] =	stream.linear.scatter [tilespmem:s29], [sflag:$0x5], $0x7D0, $0x38;
	[tilespmem:$0x1E700] =	vst v63  }
0x25e: {  	s8 =	simm.s32 $0x1CF00;
	s7 =	sadd.s32 s26, s2  }
0x25f: {  	[hbm4b:s7+s9] =	stream.linear.scatter [tilespmem:s8], [sflag:$0x5], $0x7D0, $0x38;
	[tilespmem:$0x1E700] =	vst v63  }
0x260: {  	s10 =	simm.s32 $0x1D700;
	p0 =	seq.s32 s23, $0x18;
	s2 =	sadd.s32 s14, s2  }
0x261: {  	[hbm4b:s2+s9] =	stream.linear.scatter [tilespmem:s10], [sflag:$0x5], $0x7D0, $0x38;
	[tilespmem:$0x1E700] =	vst v63  }
0x262: {  	s2 =	sadd.s32 @!p0 s15, s18  }
0x263: {  	s2 =	sshrl.u32 @!p0 s2, $0x3  }
0x264: {  	s7 =	simm.s32 @!p0 $0x0;
	s8 =	simm.s32 @!p0 $0x18700;
	s6 =	sadd.s32 @!p0 s3, s2  }
0x265: {  	[tilespmem:s8], [sflag:$0x1] =	stream.linear.gather @!p0 [hbm4b:s6+s7], $0x7D0, $0x38;
	[tilespmem:$0x1E700] =	vst v63  }
0x266: {  	s6 =	sadd.s32 @!p0 s4, s2;
	s8 =	simm.s32 @!p0 $0x18F00  }
0x267: {  	[tilespmem:s8], [sflag:$0x1] =	stream.linear.gather @!p0 [hbm4b:s6+s7], $0x7D0, $0x38;
	[tilespmem:$0x1E700] =	vst v63  }
0x268: {  	s6 =	sadd.s32 @!p0 s5, s2;
	s8 =	simm.s32 @!p0 $0x1A700  }
0x269: {  	[tilespmem:s8], [sflag:$0x3] =	stream.linear.gather @!p0 [hbm4b:s6+s7], $0x7D0, $0x38;
	[tilespmem:$0x1E700] =	vst v63  }
0x26a: {  	s2 =	sadd.s32 @!p0 s12, s2;
	s6 =	simm.s32 @!p0 $0x1AF00  }
0x26b: {  	[tilespmem:s6], [sflag:$0x3] =	stream.linear.gather @!p0 [hbm4b:s2+s7], $0x7D0, $0x38;
	[tilespmem:$0x1E700] =	vst v63  }
0x26c: {  	_ =	swait.ge [sflag:s30], $0x7D0  }
0x26d: {  	[sflag:s30] =	ssyncset.done $0x0  }
0x26e: {  	[sflag:s30] =	ssyncadd.s32 $0xFFFFF830  }
0x26f: {  	_ =	swait.ge [sflag:s30], $0x7D0  }
0x270: {  	[sflag:s30] =	ssyncset.done $0x0  }
0x271: {  	[sflag:s30] =	ssyncadd.s32 $0xFFFFF830  }
0x272: {  	_ =	swait.ge [sflag:s20], $0x7D0  }
0x273: {  	[sflag:s20] =	ssyncset.done $0x0  }
0x274: {  	[sflag:s20] =	ssyncadd.s32 $0xFFFFF830  }
0x275: {  	_ =	swait.ge [sflag:s20], $0x7D0  }
0x276: {  	[sflag:s20] =	ssyncset.done $0x0  }
0x277: {  	[sflag:s20] =	ssyncadd.s32 $0xFFFFF830  }
0x278: {  	_ =	swait.ge [sflag:s1], $0x7D0  }
0x279: {  	[sflag:s1] =	ssyncset.done $0x0  }
0x27a: {  	[sflag:s1] =	ssyncadd.s32 $0xFFFFF830  }
0x27b: {  	_ =	swait.ge [sflag:s1], $0x7D0  }
0x27c: {  	[sflag:s1] =	ssyncset.done $0x0  }
0x27d: {  	[sflag:s1] =	ssyncadd.s32 $0xFFFFF830  }
0x27e: {  	_ =	swait.ge [sflag:s1], $0x7D0  }
0x27f: {  	[sflag:s1] =	ssyncset.done $0x0  }
0x280: {  	[sflag:s1] =	ssyncadd.s32 $0xFFFFF830  }
0x281: {  	_ =	swait.ge [sflag:s1], $0x7D0  }
0x282: {  	[sflag:s1] =	ssyncset.done $0x0  }
0x283: {  	s16 =	simm.s32 $0x19720;
	[sflag:s1] =	ssyncadd.s32 $0xFFFFF830  }
0x284: {  	s19 =	simm.s32 $0x19F20;
	v1 =	vld [tilespmem:s16+$0x10]  }
0x285: {  	v2 =	vld [tilespmem:s19+$0x10]  }
0x286: {  	v3 =	vld [tilespmem:s19+$0xFFFFFFE0]  }
0x287: {  	v4 =	vld [tilespmem:s16+$0xFFFFFFF0]  }
0x288: {  	v5 =	vld [tilespmem:s19+$0xFFFFFFF0]  }
0x289: {  	v6 =	vld [tilespmem:s16+$0x0]  }
0x28a: {  	s21 =	simm.s32 $0x1B720;
	v7 =	vld [tilespmem:s19+$0x0]  }
0x28b: {  	s25 =	smov.u32 s26;
	s26 =	simm.s32 $0x1BF20;
	v8 =	vld [tilespmem:s21+$0x10]  }
0x28c: {  	v9 =	vld [tilespmem:s26+$0x10]  }
0x28d: {  	v10 =	vld [tilespmem:s16+$0xFFFFFFE0]  }
0x28e: {  	v13 =	vld [tilespmem:s26+$0xFFFFFFF0]  }
0x28f: {  	s15 =	simm.s32 $0x19F60;
	v15 =	vld [tilespmem:s26+$0x0]  }
0x290: {  	v26 =	vld [tilespmem:s15+$0xFFFFFFE0];
	s16 =	simm.s32 $0x1B760  }
0x291: {  	v33 =	vld [tilespmem:s16+$0x10]  }
0x292: {  	v1 =	vld.idx.msk [tilespmem:v1+s9+$0x0], $0xffff  }
0x293: {  	v2 =	vld.idx.msk [tilespmem:v2+s9+$0x0], $0xffff  }
0x294: {  	v49 =	vld [tilespmem:s16+$0x0]  }
0x295: {  	v11 =	vld.idx.msk [tilespmem:v3+s9+$0x0], $0xffff  }
0x296: {  	v4 =	vld.idx.msk [tilespmem:v4+s9+$0x0], $0xffff  }
0x297: {  	v5 =	vld.idx.msk [tilespmem:v5+s9+$0x0], $0xffff  }
0x298: {  	v6 =	vld.idx.msk [tilespmem:v6+s9+$0x0], $0xffff;
	v3 =	vsub.f32 v2, v1;
	v1 =	vmul.f32 v8, v8;
	v2 =	vmul.f32 v9, v9  }
0x299: {  	v9 =	vld [tilespmem:s26+$0xFFFFFFE0]  }
0x29a: {  	v8 =	vld [tilespmem:s21+$0xFFFFFFE0];
	v1 =	vadd.f32 v2, v1;
	v2 =	vmul.f32 v3, v3  }
0x29b: {  	v7 =	vld.idx.msk [tilespmem:v7+s9+$0x0], $0xffff  }
0x29c: {  	v13 =	vmul.f32 v13, v13;
	v36 =	vld.idx.msk [tilespmem:v26+s9+$0x0], $0xffff;
	v1 =	vadd.f32 v1, v2  }
0x29d: {  	v40 =	vmul.f32 v33, v33;
	v26 =	vmul.f32 v49, v49;
	v2 =	vld.idx.msk [tilespmem:v10+s9+$0x0], $0xffff  }
0x29e: {  	v10 =	vld [tilespmem:s21+$0xFFFFFFF0];
	v9 =	vmul.f32 v9, v9;
	v12 =	vmax.f32 v1, $9.999999960e-13;
	v1 =	vsub.f32 v5, v4  }
0x29f: {  	s8 =	simm.s32 $0x19760;
	v4 =	vmul.f32 v8, v8;
	v8 =	vld [tilespmem:s21+$0x0];
	v14 =	vmul.f32 $3.999999910e-02, v12;
	v5 =	vshra.s32 v12, $0x1  }
0x2a0: {  	v28 =	vld [tilespmem:s8+$0xFFFFFFF0];
	v16 =	vmul.f32 $5.000000000e-01, v12;
	vm0 =	vlt.f32 v12, $2.499999810e+01;
	v18 =	vsub.s32 $0x5F3759DF, v5  }
0x2a1: {  	v5 =	vsub.f32 v7, v6;
	v6 =	vmul.f32 v1, v1;
	v4 =	vadd.f32 v9, v4  }
0x2a2: {  	s21 =	simm.s32 $0x1BF60;
	v9 =	vmul.f32 v15, v15;
	v14 =	vmin.f32 v14, $1.000000000e+00;
	v19 =	vmul.f32 v18, v16  }
0x2a3: {  	v45 =	vld [tilespmem:s21+$0xFFFFFFE0];
	v10 =	vmul.f32 v10, v10;
	v7 =	vsub.f32 v11, v2;
	v17 =	vmul.f32 $1.028713490e-02, v14  }
0x2a4: {  	v29 =	vsel vm0, $0x1, v0;
	v2 =	vmul.f32 v8, v8;
	v8 =	vmul.f32 v18, v19  }
0x2a5: {  	v10 =	vadd.f32 v13, v10;
	v13 =	vmul.f32 v7, v7;
	v17 =	vsub.f32 $1.147943140e-01, v17  }
0x2a6: {  	v15 =	vmul.f32 v5, v5;
	v8 =	vsub.f32 $1.500000000e+00, v8;
	v2 =	vadd.f32 v9, v2  }
0x2a7: {  	v4 =	vadd.f32 v4, v13;
	v6 =	vadd.f32 v10, v6;
	v11 =	vmul.f32 v17, v14  }
0x2a8: {  	v38 =	vld.idx.msk [tilespmem:v28+s9+$0x0], $0xffff;
	v28 =	vmul.f32 v45, v45;
	v10 =	vmul.f32 v18, v8;
	v2 =	vadd.f32 v2, v15  }
0x2a9: {  	v4 =	vmax.f32 v4, $9.999999960e-13;
	v6 =	vmax.f32 v6, $9.999999960e-13;
	v9 =	vadd.f32 $-6.661269060e-01, v11  }
0x2aa: {  	v13 =	vshra.s32 v4, $0x1;
	v15 =	vmul.f32 $3.999999910e-02, v6;
	v11 =	vmul.f32 v10, v16  }
0x2ab: {  	v19 =	vmul.f32 $5.000000000e-01, v4;
	vm2 =	vlt.f32 v4, $2.499999810e+01;
	v9 =	vmul.f32 v9, v14  }
0x2ac: {  	v8 =	vmax.f32 v2, $9.999999960e-13;
	v15 =	vmin.f32 v15, $1.000000000e+00;
	v11 =	vmul.f32 v11, v10  }
0x2ad: {  	v20 =	vmul.f32 $1.028713490e-02, v15;
	v2 =	vadd.f32 $2.028983830e+00, v9;
	v9 =	vmul.f32 $3.999999910e-02, v4  }
0x2ae: {  	v16 =	vshra.s32 v6, $0x1;
	v17 =	vmul.f32 $3.999999910e-02, v8;
	v60 =	vmul.f32 $5.000000000e-01, v8  }
0x2af: {  	v11 =	vsub.f32 $1.500000000e+00, v11;
	v20 =	vsub.f32 $1.147943140e-01, v20;
	v9 =	vmin.f32 v9, $1.000000000e+00  }
0x2b0: {  	vm1 =	vlt.f32 v8, $2.499999810e+01;
	v2 =	vmul.f32 v2, v14;
	v18 =	vmul.f32 $1.028713490e-02, v9  }
0x2b1: {  	v17 =	vmin.f32 v17, $1.000000000e+00;
	v10 =	vmul.f32 v11, v10;
	v20 =	vmul.f32 v20, v15  }
0x2b2: {  	v59 =	vmul.f32 $1.028713490e-02, v17;
	v2 =	vadd.f32 $-2.467364070e+00, v2;
	v11 =	vsub.f32 $1.147943140e-01, v18  }
0x2b3: {  	v18 =	vshra.s32 v8, $0x1;
	v10 =	vmul.f32 v10, v12;
	v20 =	vadd.f32 $-6.661269060e-01, v20  }
0x2b4: {  	v23 =	vld [tilespmem:s8+$0x10];
	v2 =	vmul.f32 v2, v14;
	v14 =	vmul.f32 $5.000000000e-01, v6;
	v18 =	vsub.s32 $0x5F3759DF, v18  }
0x2b5: {  	v24 =	vld [tilespmem:s15+$0x10];
	v21 =	vsub.f32 $1.147943140e-01, v59;
	v27 =	vmul.f32 v18, v60;
	v20 =	vmul.f32 v20, v15  }
0x2b6: {  	v12 =	vsub.s32 $0x5F3759DF, v13;
	v13 =	vsub.s32 $0x5F3759DF, v16;
	v2 =	vadd.f32 $9.999991050e-01, v2  }
0x2b7: {  	v25 =	vmul.f32 v13, v14;
	v27 =	vmul.f32 v18, v27;
	v20 =	vadd.f32 $2.028983830e+00, v20  }
0x2b8: {  	v16 =	vnsel vm0, $0x0, v2;
	v2 =	vmul.f32 v11, v9;
	v11 =	vmul.f32 v12, v19  }
0x2b9: {  	v30 =	vld [tilespmem:s15+$0xFFFFFFF0];
	v21 =	vmul.f32 v21, v17;
	v25 =	vmul.f32 v13, v25;
	v27 =	vsub.f32 $1.500000000e+00, v27  }
0x2ba: {  	v31 =	vld [tilespmem:s8+$0x0];
	v20 =	vmul.f32 v20, v15;
	v2 =	vadd.f32 $-6.661269060e-01, v2;
	v11 =	vmul.f32 v12, v11  }
0x2bb: {  	v61 =	vld [tilespmem:s21+$0x10];
	v21 =	vadd.f32 $-6.661269060e-01, v21;
	v25 =	vsub.f32 $1.500000000e+00, v25;
	v18 =	vmul.f32 v18, v27  }
0x2bc: {  	v23 =	vld.idx.msk [tilespmem:v23+s9+$0x0], $0xffff;
	v20 =	vadd.f32 $-2.467364070e+00, v20;
	v2 =	vmul.f32 v2, v9;
	v11 =	vsub.f32 $1.500000000e+00, v11  }
0x2bd: {  	v24 =	vld.idx.msk [tilespmem:v24+s9+$0x0], $0xffff;
	vm0 =	vlt.f32 v6, $2.499999810e+01;
	v13 =	vmul.f32 v13, v25;
	v22 =	vmul.f32 v18, v60  }
0x2be: {  	v63 =	vld [tilespmem:s8+$0xFFFFFFE0];
	v15 =	vmul.f32 v20, v15;
	v20 =	vsel vm0, $0x1, v0;
	v12 =	vmul.f32 v12, v11  }
0x2bf: {  	v32 =	vld [tilespmem:s15+$0x0];
	v2 =	vadd.f32 $2.028983830e+00, v2;
	v11 =	vmul.f32 v21, v17;
	v14 =	vmul.f32 v13, v14  }
0x2c0: {  	v47 =	vld [tilespmem:s21+$0xFFFFFFF0];
	v21 =	vmul.f32 v61, v61;
	v22 =	vmul.f32 v22, v18;
	v15 =	vadd.f32 $9.999991050e-01, v15  }
0x2c1: {  	v2 =	vmul.f32 v2, v9;
	v62 =	vadd.f32 $2.028983830e+00, v11;
	v19 =	vmul.f32 v12, v19  }
0x2c2: {  	v11 =	vsub.f32 v24, v23;
	v14 =	vmul.f32 v14, v13;
	v21 =	vadd.f32 v21, v40  }
0x2c3: {  	v22 =	vsub.f32 $1.500000000e+00, v22;
	v15 =	vnsel vm0, $0x0, v15;
	v37 =	vmul.f32 v62, v17  }
0x2c4: {  	v44 =	vld [tilespmem:s16+$0xFFFFFFE0];
	v2 =	vadd.f32 $-2.467364070e+00, v2;
	v19 =	vmul.f32 v19, v12;
	v43 =	vmul.f32 v11, v11  }
0x2c5: {  	v39 =	vld.idx.msk [tilespmem:v30+s9+$0x0], $0xffff;
	v14 =	vsub.f32 $1.500000000e+00, v14;
	v18 =	vmul.f32 v22, v18;
	v22 =	vmul.f32 v47, v47  }
0x2c6: {  	v27 =	vld.idx.msk [tilespmem:v63+s9+$0x0], $0xffff;
	v2 =	vmul.f32 v2, v9;
	v24 =	vadd.f32 $-2.467364070e+00, v37;
	v21 =	vadd.f32 v21, v43  }
0x2c7: {  	v41 =	vld.idx.msk [tilespmem:v31+s9+$0x0], $0xffff;
	v9 =	vsel vm2, $0x1, v0;
	v19 =	vsub.f32 $1.500000000e+00, v19;
	v13 =	vmul.f32 v14, v13  }
0x2c8: {  	v42 =	vld.idx.msk [tilespmem:v32+s9+$0x0], $0xffff;
	v18 =	vmul.f32 v18, v8;
	v17 =	vmul.f32 v24, v17;
	v21 =	vmax.f32 v21, $9.999999960e-13  }
0x2c9: {  	v50 =	vld [tilespmem:s21+$0x0];
	v12 =	vmul.f32 v19, v12;
	v19 =	vsel vm1, $0x1, v0;
	v48 =	vmul.f32 $3.999999910e-02, v21  }
0x2ca: {  	v14 =	vld [tilespmem:s16+$0xFFFFFFF0];
	v46 =	vadd.f32 $9.999991050e-01, v2;
	v2 =	vsub.f32 v39, v38;
	v24 =	vmul.f32 v44, v44  }
0x2cb: {  	v13 =	vmul.f32 v13, v6;
	v6 =	vsub.f32 v36, v27;
	v25 =	vmin.f32 v48, $1.000000000e+00  }
0x2cc: {  	v52 =	vshra.s32 v21, $0x1;
	v54 =	vmul.f32 $5.000000000e-01, v21;
	v53 =	vmul.f32 $1.028713490e-02, v25  }
0x2cd: {  	vm0 =	vlt.f32 v21, $2.499999810e+01;
	v12 =	vmul.f32 v12, v4;
	v55 =	vsub.s32 $0x5F3759DF, v52  }
0x2ce: {  	s10 =	simm.s32 $0x1DF20;
	v4 =	vsub.f32 v42, v41;
	v57 =	vmul.f32 v55, v54;
	v56 =	vsub.f32 $1.147943140e-01, v53  }
0x2cf: {  	s19 =	simm.s32 $0x1C720;
	[tilespmem:s10+$0x10] =	vst v3;
	v3 =	vadd.f32 $9.999991050e-01, v17;
	v17 =	vmul.f32 v50, v50;
	v14 =	vmul.f32 v14, v14  }
0x2d0: {  	s26 =	simm.s32 $0x1CF20;
	[tilespmem:s19+$0x10] =	vst v10;
	v24 =	vadd.f32 v28, v24;
	v59 =	vmul.f32 v55, v57;
	v58 =	vmul.f32 v56, v25  }
0x2d1: {  	[tilespmem:s26+$0x10] =	vst v16;
	v16 =	vadd.f32 v17, v26;
	v17 =	vmul.f32 v6, v6;
	v10 =	vadd.f32 v22, v14  }
0x2d2: {  	[tilespmem:s10+$0xFFFFFFF0] =	vst v1;
	v14 =	vmul.f32 v2, v2;
	v22 =	vsub.f32 $1.500000000e+00, v59;
	v60 =	vadd.f32 $-6.661269060e-01, v58  }
0x2d3: {  	[tilespmem:s10+$0xFFFFFFE0] =	vst v7;
	v51 =	vnsel vm2, $0x0, v46;
	v8 =	vmul.f32 v4, v4;
	v7 =	vadd.f32 v24, v17  }
0x2d4: {  	[tilespmem:s10+$0x0] =	vst v5;
	v10 =	vadd.f32 v10, v14;
	v22 =	vmul.f32 v55, v22;
	v17 =	vmul.f32 v60, v25  }
0x2d5: {  	[tilespmem:s19+$0x0] =	vst v18;
	v1 =	vadd.f32 v16, v8;
	v14 =	vnsel vm1, $0x0, v3;
	v5 =	vmax.f32 v7, $9.999999960e-13  }
0x2d6: {  	[tilespmem:s19+$0xFFFFFFF0] =	vst v13;
	v3 =	vmax.f32 v10, $9.999999960e-13;
	v8 =	vmul.f32 v22, v54;
	v7 =	vadd.f32 $2.028983830e+00, v17  }
0x2d7: {  	[tilespmem:s19+$0xFFFFFFE0] =	vst v12;
	v1 =	vmax.f32 v1, $9.999999960e-13;
	v10 =	vmul.f32 $3.999999910e-02, v5;
	v12 =	vmul.f32 $3.999999910e-02, v3  }
0x2d8: {  	s6 =	simm.s32 $0x1D720;
	[tilespmem:s26+$0xFFFFFFF0] =	vst v15;
	v61 =	vshra.s32 v5, $0x1;
	v8 =	vmul.f32 v8, v22;
	v16 =	vmul.f32 v7, v25  }
0x2d9: {  	[tilespmem:s6+$0xFFFFFFF0] =	vst v20;
	v18 =	vshra.s32 v1, $0x1;
	v20 =	vshra.s32 v3, $0x1;
	v7 =	vmin.f32 v12, $1.000000000e+00  }
0x2da: {  	[tilespmem:s26+$0xFFFFFFE0] =	vst v51;
	v12 =	vmul.f32 $3.999999910e-02, v1;
	v13 =	vadd.f32 $-2.467364070e+00, v16;
	v16 =	vsub.f32 $1.500000000e+00, v8  }
0x2db: {  	[tilespmem:s6+$0xFFFFFFE0] =	vst v9;
	v9 =	vmin.f32 v10, $1.000000000e+00;
	v10 =	vmul.f32 $5.000000000e-01, v5;
	v17 =	vmul.f32 $1.028713490e-02, v7  }
0x2dc: {  	[tilespmem:s6+$0x10] =	vst v29;
	v8 =	vmin.f32 v12, $1.000000000e+00;
	v12 =	vmul.f32 v13, v25;
	v13 =	vmul.f32 v16, v22  }
0x2dd: {  	[tilespmem:s26+$0x0] =	vst v14;
	v14 =	vsub.s32 $0x5F3759DF, v61;
	v15 =	vmul.f32 $1.028713490e-02, v9;
	v62 =	vmul.f32 $1.028713490e-02, v8  }
0x2de: {  	s8 =	simm.s32 $0x1DF60;
	[tilespmem:s6+$0x0] =	vst v19;
	v17 =	vsub.f32 $1.147943140e-01, v17;
	v63 =	vadd.f32 $9.999991050e-01, v12;
	v19 =	vmul.f32 v13, v21  }
0x2df: {  	s2 =	simm.s32 $0x1C760;
	[tilespmem:s8+$0x10] =	vst v11;
	v11 =	vsub.s32 $0x5F3759DF, v20;
	v16 =	vsub.f32 $1.147943140e-01, v15;
	v15 =	vsub.f32 $1.147943140e-01, v62  }
0x2e0: {  	s7 =	simm.s32 $0x1CF60;
	s10 =	simm.s32 $0x40;
	s19 =	simm.s32 $0x197A0;
	v13 =	vmul.f32 $5.000000000e-01, v3;
	v12 =	vmul.f32 $5.000000000e-01, v1;
	[tilespmem:s2+$0x10] =	vst v19;
	v19 =	vnsel vm0, $0x0, v63  }
.LBB2_17:
0x2e1: {  	v20 =	vld [tilespmem:s19+$0x10];
	v21 =	vmul.f32 v14, v10;
	v18 =	vsub.s32 $0x5F3759DF, v18;
	[tilespmem:s7+$0x10] =	vst v19;
	v19 =	vsel vm0, $0x1, v0;
	s15 =	sadd.s32 $0x40, s15;
	s6 =	sadd.s32 $0x40, s6  }
0x2e2: {  	vm2 =	vlt.f32 v5, $2.499999810e+01;
	v23 =	vmul.f32 v11, v13;
	v22 =	vld [tilespmem:s15+$0x10];
	v24 =	vmul.f32 v18, v12;
	[tilespmem:s6+$0x10] =	vst v19  }
0x2e3: {  	s10 =	sadd.s32 $0x40, s10;
	v16 =	vmul.f32 v16, v9;
	vm0 =	vlt.f32 v3, $2.499999810e+01;
	v19 =	vld [tilespmem:s15+$0xFFFFFFE0];
	[tilespmem:s8+$0xFFFFFFE0] =	vst v6;
	v6 =	vmul.f32 v17, v7  }
0x2e4: {  	vm1 =	vlt.f32 v1, $2.499999810e+01;
	v15 =	vmul.f32 v15, v8;
	p0 =	slt.u32 s10, $0x780;
	v21 =	vmul.f32 v14, v21;
	v17 =	vld [tilespmem:s19+$0xFFFFFFF0];
	[tilespmem:s8+$0x0] =	vst v4  }
0x2e5: {  	v16 =	vadd.f32 $-6.661269060e-01, v16;
	v23 =	vmul.f32 v11, v23;
	v4 =	vld [tilespmem:s15+$0xFFFFFFF0];
	[tilespmem:s8+$0xFFFFFFF0] =	vst v2;
	v2 =	vmul.f32 v18, v24  }
0x2e6: {  	v25 =	vsel vm2, $0x1, v0;
	v15 =	vadd.f32 $-6.661269060e-01, v15;
	v6 =	vadd.f32 $-6.661269060e-01, v6;
	v24 =	vld [tilespmem:s19+$0x0]  }
0x2e7: {  	s16 =	sadd.s32 $0x40, s16;
	v21 =	vsub.f32 $1.500000000e+00, v21;
	v16 =	vmul.f32 v16, v9;
	v23 =	vsub.f32 $1.500000000e+00, v23;
	v26 =	vld [tilespmem:s15+$0x0]  }
0x2e8: {  	v15 =	vmul.f32 v15, v8;
	v6 =	vmul.f32 v6, v7;
	v2 =	vsub.f32 $1.500000000e+00, v2;
	v27 =	vld [tilespmem:s16+$0x10]  }
0x2e9: {  	v14 =	vmul.f32 v14, v21;
	v16 =	vadd.f32 $2.028983830e+00, v16;
	v21 =	vmul.f32 v11, v23;
	v20 =	vld.idx.msk [tilespmem:v20+s9+$0x0], $0xffff  }
0x2ea: {  	s21 =	sadd.s32 $0x40, s21;
	v6 =	vadd.f32 $2.028983830e+00, v6;
	v18 =	vmul.f32 v18, v2;
	v2 =	vadd.f32 $2.028983830e+00, v15;
	v11 =	vld.idx.msk [tilespmem:v22+s9+$0x0], $0xffff  }
0x2eb: {  	v10 =	vmul.f32 v14, v10;
	v13 =	vmul.f32 v21, v13;
	v22 =	vsel vm0, $0x1, v0;
	v15 =	vld [tilespmem:s21+$0x10]  }
0x2ec: {  	v28 =	vsel vm1, $0x1, v0;
	v16 =	vmul.f32 v16, v9;
	v12 =	vmul.f32 v18, v12;
	v23 =	vld [tilespmem:s19+$0xFFFFFFE0]  }
0x2ed: {  	v6 =	vmul.f32 v6, v7;
	v2 =	vmul.f32 v2, v8;
	v19 =	vld.idx.msk [tilespmem:v19+s9+$0x0], $0xffff  }
0x2ee: {  	v10 =	vmul.f32 v10, v14;
	v16 =	vadd.f32 $-2.467364070e+00, v16;
	v13 =	vmul.f32 v13, v21;
	v17 =	vld.idx.msk [tilespmem:v17+s9+$0x0], $0xffff  }
0x2ef: {  	v6 =	vadd.f32 $-2.467364070e+00, v6;
	v12 =	vmul.f32 v12, v18;
	v2 =	vadd.f32 $-2.467364070e+00, v2;
	v4 =	vld.idx.msk [tilespmem:v4+s9+$0x0], $0xffff  }
0x2f0: {  	v11 =	vsub.f32 v11, v20;
	v20 =	vmul.f32 v27, v27;
	v24 =	vld.idx.msk [tilespmem:v24+s9+$0x0], $0xffff;
	v15 =	vmul.f32 v15, v15  }
0x2f1: {  	v10 =	vsub.f32 $1.500000000e+00, v10;
	v9 =	vmul.f32 v16, v9;
	v13 =	vsub.f32 $1.500000000e+00, v13;
	v26 =	vld.idx.msk [tilespmem:v26+s9+$0x0], $0xffff  }
0x2f2: {  	v12 =	vsub.f32 $1.500000000e+00, v12;
	v16 =	vld [tilespmem:s16+$0xFFFFFFE0];
	v15 =	vadd.f32 v15, v20;
	v20 =	vmul.f32 v11, v11  }
0x2f3: {  	v9 =	vadd.f32 $9.999991050e-01, v9;
	v6 =	vmul.f32 v6, v7;
	v7 =	vmul.f32 v2, v8;
	v27 =	vld [tilespmem:s21+$0xFFFFFFE0]  }
0x2f4: {  	v10 =	vmul.f32 v10, v14;
	v13 =	vmul.f32 v13, v21;
	v8 =	vld.idx.msk [tilespmem:v23+s9+$0x0], $0xffff;
	v15 =	vadd.f32 v15, v20  }
0x2f5: {  	v12 =	vmul.f32 v12, v18;
	v2 =	vsub.f32 v4, v17;
	v17 =	vadd.f32 $9.999991050e-01, v6;
	v14 =	vld [tilespmem:s16+$0xFFFFFFF0]  }
0x2f6: {  	v5 =	vmul.f32 v10, v5;
	v7 =	vadd.f32 $9.999991050e-01, v7;
	v18 =	vld [tilespmem:s21+$0xFFFFFFF0];
	v20 =	vmax.f32 v15, $9.999999960e-13  }
0x2f7: {  	v4 =	vsub.f32 v26, v24;
	v10 =	vmul.f32 v16, v16;
	v15 =	vld [tilespmem:s16+$0x0];
	v6 =	vmul.f32 $3.999999910e-02, v20  }
0x2f8: {  	v21 =	vmul.f32 v2, v2;
	v16 =	vmul.f32 v27, v27;
	v23 =	vld [tilespmem:s21+$0x0];
	[tilespmem:s2+$0xFFFFFFE0] =	vst v5;
	v5 =	vnsel vm2, $0x0, v9  }
0x2f9: {  	v3 =	vmul.f32 v13, v3;
	v9 =	vmul.f32 v4, v4;
	v24 =	vmin.f32 v6, $1.000000000e+00;
	[tilespmem:s7+$0xFFFFFFE0] =	vst v5  }
0x2fa: {  	v13 =	vmul.f32 $5.000000000e-01, v20;
	v5 =	vshra.s32 v20, $0x1;
	v26 =	vmul.f32 $1.028713490e-02, v24;
	[tilespmem:s6+$0xFFFFFFE0] =	vst v25  }
0x2fb: {  	v6 =	vsub.f32 v19, v8;
	v8 =	vmul.f32 v14, v14;
	v5 =	vsub.s32 $0x5F3759DF, v5;
	[tilespmem:s2+$0xFFFFFFF0] =	vst v3  }
0x2fc: {  	v3 =	vmul.f32 v18, v18;
	v14 =	vmul.f32 v5, v13;
	v18 =	vsub.f32 $1.147943140e-01, v26  }
0x2fd: {  	v10 =	vadd.f32 v16, v10;
	v15 =	vmul.f32 v15, v15;
	v16 =	vmul.f32 v23, v23  }
0x2fe: {  	v3 =	vadd.f32 v3, v8;
	v8 =	vmul.f32 v5, v14;
	v14 =	vmul.f32 v18, v24  }
0x2ff: {  	v1 =	vmul.f32 v12, v1;
	v18 =	vmul.f32 v6, v6;
	v15 =	vadd.f32 v16, v15  }
0x300: {  	v8 =	vsub.f32 $1.500000000e+00, v8;
	v12 =	vadd.f32 $-6.661269060e-01, v14;
	v14 =	vnsel vm0, $0x0, v17  }
0x301: {  	v7 =	vnsel vm1, $0x0, v7;
	v3 =	vadd.f32 v3, v21;
	v10 =	vadd.f32 v10, v18;
	[tilespmem:s7+$0xFFFFFFF0] =	vst v14  }
0x302: {  	v9 =	vadd.f32 v15, v9;
	v14 =	vmul.f32 v5, v8;
	v8 =	vmul.f32 v12, v24;
	[tilespmem:s6+$0xFFFFFFF0] =	vst v22  }
0x303: {  	v3 =	vmax.f32 v3, $9.999999960e-13;
	v5 =	vmax.f32 v10, $9.999999960e-13;
	[tilespmem:s2+$0x0] =	vst v1  }
0x304: {  	v1 =	vmax.f32 v9, $9.999999960e-13;
	v9 =	vmul.f32 v14, v13;
	v8 =	vadd.f32 $2.028983830e+00, v8;
	[tilespmem:s7+$0x0] =	vst v7  }
0x305: {  	v10 =	vmul.f32 $3.999999910e-02, v3;
	v19 =	vshra.s32 v5, $0x1;
	v7 =	vmul.f32 $3.999999910e-02, v5;
	[tilespmem:s6+$0x0] =	vst v28  }
0x306: {  	v21 =	vshra.s32 v3, $0x1;
	v12 =	vmul.f32 v9, v14;
	v8 =	vmul.f32 v8, v24  }
0x307: {  	v13 =	vmul.f32 $3.999999910e-02, v1;
	v9 =	vmin.f32 v7, $1.000000000e+00;
	v7 =	vmin.f32 v10, $1.000000000e+00  }
0x308: {  	v15 =	vmul.f32 $1.028713490e-02, v9;
	v12 =	vsub.f32 $1.500000000e+00, v12;
	v16 =	vadd.f32 $-2.467364070e+00, v8  }
0x309: {  	v10 =	vmul.f32 $5.000000000e-01, v5;
	v17 =	vmul.f32 $1.028713490e-02, v7;
	v8 =	vmin.f32 v13, $1.000000000e+00  }
.Ltmp7:
0x30a: {  	v18 =	vshra.s32 v1, $0x1;
	v14 =	vmul.f32 v12, v14;
	v22 =	vmul.f32 v16, v24;
	(pc) =	sbr.rel @p0 .LBB2_17-.Ltmp7, $4  }
0x30b: {  	v13 =	vmul.f32 $5.000000000e-01, v3;
	v16 =	vsub.f32 $1.147943140e-01, v15;
	v15 =	vmul.f32 $1.028713490e-02, v8  }
0x30c: {  	s8 =	sadd.s32 $0x40, s8;
	v12 =	vmul.f32 $5.000000000e-01, v1;
	v23 =	vmul.f32 v14, v20;
	v22 =	vadd.f32 $9.999991050e-01, v22  }
0x30d: {  	vm0 =	vlt.f32 v20, $2.499999810e+01;
	s2 =	sadd.s32 $0x40, s2;
	v17 =	vsub.f32 $1.147943140e-01, v17;
	v15 =	vsub.f32 $1.147943140e-01, v15;
	[tilespmem:s8+$0x10] =	vst v11  }
0x30e: {  	s19 =	sadd.s32 $0x40, s19;
	s7 =	sadd.s32 $0x40, s7;
	v14 =	vsub.s32 $0x5F3759DF, v19;
	v11 =	vsub.s32 $0x5F3759DF, v21;
	[tilespmem:s2+$0x10] =	vst v23;
	v19 =	vnsel vm0, $0x0, v22  }
0x30f: {  	v20 =	vmul.f32 v14, v10  }
0x310: {  	v21 =	vmul.f32 v11, v13  }
0x311: {  	v20 =	vmul.f32 v14, v20  }
0x312: {  	v18 =	vsub.s32 $0x5F3759DF, v18;
	v16 =	vmul.f32 v16, v9;
	v21 =	vmul.f32 v11, v21  }
0x313: {  	v17 =	vmul.f32 v17, v7;
	v22 =	vmul.f32 v18, v12;
	v20 =	vsub.f32 $1.500000000e+00, v20  }
0x314: {  	v15 =	vmul.f32 v15, v8;
	v16 =	vadd.f32 $-6.661269060e-01, v16;
	v45 =	vsub.f32 $1.500000000e+00, v21  }
0x315: {  	v17 =	vadd.f32 $-6.661269060e-01, v17;
	v22 =	vmul.f32 v18, v22;
	v44 =	vmul.f32 v14, v20  }
0x316: {  	v15 =	vadd.f32 $-6.661269060e-01, v15;
	v16 =	vmul.f32 v16, v9;
	v48 =	vmul.f32 v11, v45  }
0x317: {  	v17 =	vmul.f32 v17, v7;
	v46 =	vsub.f32 $1.500000000e+00, v22;
	v47 =	vmul.f32 v44, v10  }
0x318: {  	v15 =	vmul.f32 v15, v8;
	v16 =	vadd.f32 $2.028983830e+00, v16;
	v50 =	vmul.f32 v48, v13  }
0x319: {  	v17 =	vadd.f32 $2.028983830e+00, v17;
	v18 =	vmul.f32 v18, v46;
	v10 =	vmul.f32 v47, v44  }
0x31a: {  	v15 =	vadd.f32 $2.028983830e+00, v15;
	v16 =	vmul.f32 v16, v9;
	v13 =	vmul.f32 v50, v48  }
0x31b: {  	v17 =	vmul.f32 v17, v7;
	v51 =	vmul.f32 v18, v12;
	v10 =	vsub.f32 $1.500000000e+00, v10  }
0x31c: {  	[tilespmem:s7+$0x10] =	vst v19;
	v53 =	vmul.f32 v15, v8;
	v16 =	vadd.f32 $-2.467364070e+00, v16;
	v13 =	vsub.f32 $1.500000000e+00, v13  }
0x31d: {  	[tilespmem:s8+$0xFFFFFFE0] =	vst v6;
	v54 =	vadd.f32 $-2.467364070e+00, v17;
	v55 =	vmul.f32 v51, v18;
	v10 =	vmul.f32 v10, v44  }
0x31e: {  	v49 =	vsel vm0, $0x1, v0;
	[tilespmem:s8+$0x0] =	vst v4;
	v52 =	vmul.f32 v16, v9;
	v56 =	vmul.f32 v13, v48  }
0x31f: {  	s6 =	sadd.s32 $0x40, s6;
	[tilespmem:s8+$0xFFFFFFF0] =	vst v2;
	v2 =	vmul.f32 v54, v7;
	v4 =	vsub.f32 $1.500000000e+00, v55;
	v10 =	vmul.f32 v10, v5  }
0x320: {  	vm12 =	vlt.f32 v5, $2.499999810e+01;
	[tilespmem:s6+$0x10] =	vst v49;
	v9 =	vadd.f32 $9.999991050e-01, v52;
	v5 =	vmul.f32 v56, v3  }
0x321: {  	v6 =	vadd.f32 $-2.467364070e+00, v53;
	v2 =	vadd.f32 $9.999991050e-01, v2;
	v4 =	vmul.f32 v4, v18;
	[tilespmem:s2+$0xFFFFFFE0] =	vst v10  }
0x322: {  	vm13 =	vlt.f32 v3, $2.499999810e+01;
	v57 =	vnsel vm12, $0x0, v9;
	[tilespmem:s2+$0xFFFFFFF0] =	vst v5  }
0x323: {  	v3 =	vmul.f32 v6, v8;
	v2 =	vnsel vm13, $0x0, v2;
	v4 =	vmul.f32 v4, v1;
	[tilespmem:s7+$0xFFFFFFE0] =	vst v57  }
0x324: {  	[tilespmem:s7+$0xFFFFFFF0] =	vst v2  }
0x325: {  	v58 =	vsel vm12, $0x1, v0;
	v3 =	vadd.f32 $9.999991050e-01, v3;
	[tilespmem:s2+$0x0] =	vst v4  }
0x326: {  	vm14 =	vlt.f32 v1, $2.499999810e+01;
	v59 =	vsel vm13, $0x1, v0;
	[tilespmem:s6+$0xFFFFFFE0] =	vst v58  }
0x327: {  	[tilespmem:s6+$0xFFFFFFF0] =	vst v59;
	v1 =	vnsel vm14, $0x0, v3  }
0x328: {  	v2 =	vsel vm14, $0x1, v0;
	[tilespmem:s7+$0x0] =	vst v1  }
0x329: {  	[tilespmem:s6+$0x0] =	vst v2  }
0x32a: {  	v1 =	vld [tilespmem:$0x19EC0]  }
0x32b: {  	v2 =	vld [tilespmem:$0x1A6C0];
	_ =	sdelay $0x4  }
0x32c: {  	v3 =	vld [tilespmem:$0x1BEC0]  }
0x32d: {  	v4 =	vld [tilespmem:$0x1C6C0]  }
0x32e: {  	v1 =	vld.idx.msk [tilespmem:v1+s9+$0x0], $0xffff  }
0x32f: {  	v2 =	vld.idx.msk [tilespmem:v2+s9+$0x0], $0xffff;
	_ =	sdelay $0x4  }
0x330: {  	v1 =	vsub.f32 v2, v1;
	v2 =	vmul.f32 v3, v3;
	v3 =	vmul.f32 v4, v4;
	_ =	sdelay $0x1  }
0x331: {  	v2 =	vadd.f32 v3, v2;
	v3 =	vmul.f32 v1, v1;
	_ =	sdelay $0x1  }
0x332: {  	v2 =	vadd.f32 v2, v3;
	_ =	sdelay $0x1  }
0x333: {  	v2 =	vmax.f32 v2, $9.999999960e-13  }
0x334: {  	v3 =	vmul.f32 $3.999999910e-02, v2;
	_ =	sdelay $0x1  }
0x335: {  	v3 =	vmin.f32 v3, $1.000000000e+00  }
0x336: {  	v60 =	vshra.s32 v2, $0x1;
	v61 =	vmul.f32 $5.000000000e-01, v2;
	v62 =	vmul.f32 $-1.028713490e-02, v3  }
0x337: {  	v4 =	vsub.s32 $0x5F3759DF, v60  }
0x338: {  	v63 =	vmul.f32 v4, v61;
	v6 =	vadd.f32 $1.147943140e-01, v62;
	_ =	sdelay $0x1  }
0x339: {  	v7 =	vmul.f32 v4, v63;
	v6 =	vmul.f32 v6, v3;
	_ =	sdelay $0x1  }
0x33a: {  	v7 =	vsub.f32 $1.500000000e+00, v7;
	v6 =	vadd.f32 $-6.661269060e-01, v6;
	_ =	sdelay $0x1  }
0x33b: {  	v4 =	vmul.f32 v4, v7;
	v6 =	vmul.f32 v6, v3;
	_ =	sdelay $0x1  }
0x33c: {  	v5 =	vmul.f32 v4, v61;
	v6 =	vadd.f32 $2.028983830e+00, v6;
	_ =	sdelay $0x1  }
0x33d: {  	v5 =	vmul.f32 v5, v4;
	v6 =	vmul.f32 v6, v3;
	_ =	sdelay $0x1  }
0x33e: {  	v5 =	vsub.f32 $1.500000000e+00, v5;
	v6 =	vadd.f32 $-2.467364070e+00, v6;
	_ =	sdelay $0x1  }
0x33f: {  	v4 =	vmul.f32 v5, v4;
	v3 =	vmul.f32 v6, v3;
	_ =	sdelay $0x1  }
0x340: {  	v4 =	vmul.f32 v4, v2;
	v3 =	vadd.f32 $9.999991050e-01, v3  }
0x341: {  	[tilespmem:$0x1E6C0] =	vst v1;
	vm15 =	vlt.f32 v2, $2.499999810e+01  }
0x342: {  	[tilespmem:$0x1CEC0] =	vst v4;
	v1 =	vnsel vm15, $0x0, v3  }
0x343: {  	[tilespmem:$0x1D6C0] =	vst v1;
	v1 =	vsel vm15, $0x1, v0  }
0x344: {  	s15 =	sadd.s32 s13, s24;
	s23 =	sadd.s32 $0x1, s23;
	[tilespmem:$0x1DEC0] =	vst v1  }
0x345: {  	[hbm4b:s15+s9] =	stream.linear.scatter [tilespmem:s31], [sflag:$0x5], $0x7D0, $0x38;
	[tilespmem:$0x1E700] =	vst v63  }
0x346: {  	s16 =	sadd.s32 s22, s24;
	p0 =	sne.s32 s23, $0x19  }
0x347: {  	[hbm4b:s16+s9] =	stream.linear.scatter [tilespmem:s29], [sflag:$0x5], $0x7D0, $0x38;
	[tilespmem:$0x1E700] =	vst v63  }
.Ltmp8:
0x348: {  	_ = 	snop;
	(pc) =	sbr.rel @p0 .LBB2_14-.Ltmp8, $4  }
0x349: {  	s19 =	sadd.s32 s25, s24;
	s21 =	simm.s32 $0x1CF00  }
0x34a: {  	[hbm4b:s19+s9] =	stream.linear.scatter [tilespmem:s21], [sflag:$0x5], $0x7D0, $0x38;
	[tilespmem:$0x1E700] =	vst v63  }
0x34b: {  	s24 =	sadd.s32 s14, s24;
	s26 =	simm.s32 $0x1D700  }
0x34c: {  	[hbm4b:s24+s9] =	stream.linear.scatter [tilespmem:s26], [sflag:$0x5], $0x7D0, $0x38;
	[tilespmem:$0x1E700] =	vst v63  }
0x34d: {  	_ =	swait.ge [sflag:s1], $0x7D0  }
0x34e: {  	[sflag:s1] =	ssyncset.done $0x0  }
0x34f: {  	[sflag:s1] =	ssyncadd.s32 $0xFFFFF830  }
0x350: {  	_ =	swait.ge [sflag:s1], $0x7D0  }
0x351: {  	[sflag:s1] =	ssyncset.done $0x0  }
0x352: {  	[sflag:s1] =	ssyncadd.s32 $0xFFFFF830  }
0x353: {  	_ =	swait.ge [sflag:s1], $0x7D0  }
0x354: {  	[sflag:s1] =	ssyncset.done $0x0  }
0x355: {  	[sflag:s1] =	ssyncadd.s32 $0xFFFFF830  }
0x356: {  	_ =	swait.ge [sflag:s1], $0x7D0  }
0x357: {  	s6 =	rddreg [dreg:$0xe]  }
0x358: {  	s2 =	rddreg [dreg:$0xd];
	s6 =	sadd.s32 $0x1, s6  }
0x359: {  	p0 =	sne.s32 s6, s2  }
.Ltmp9:
0x35a: {  	_ = 	snop;
	(pc) =	sbr.rel @p0 .LBB2_1-.Ltmp9, $4  }
0x35b: {  	_ = 	snop  }
0x35c: {  	s24 =	simm.s32 $0x6  }
0x35d: {  	s26 =	simm.s32 $0x18700;
	[sflag:s1] =	ssyncset.done $0x0;
	s19 =	rddreg [dreg:$0x9]  }
0x35e: {  	s23 =	simm.s32 $0x19700;
	s21 =	rddreg [dreg:$0xa];
	[sflag:s1] =	ssyncadd.s32 $0xFFFFF830  }
0x35f: {  	_ =	sfence.sel $0x180000  }
0x360: {  	[bflag:$0x0] =	sbarrier.arrive $0xFFFF  }
0x361: {  	_ =	strace $0x90000047  }
0x362: {  	s0 =	stileid.u32;
	[bflag:$0x2] =	sbarrier.arrive $0xFFFF  }
0x363: {  	p0 =	sne.s32 s0, $0x0;
	s0 =	rddreg [dreg:$0x7]  }
0x364: {  	s0 =	sadd.s32 @!p0 $0x100000, s0  }
0x365: {  	[sflag:s0] =	ssyncadd.tile.s32 @!p0 $0x1;
	_ =	shalt  }
.Lfunc_end2:
_tile_overlayer_lowered:
.L_overlay_start_2:
0x366: {  	(tag) =	ssettag $0x2  }
0x367: {  	s0 =	rddreg [dreg:$0x0];
	s2 =	stileid.u32  }
0x368: {  	s1 =	rddreg [dreg:$0x1];
	p0 =	sne.s32 s2, $0x0  }
0x369: {  	s3 =	rddreg [dreg:$0x2];
	[bflag:$0x3] =	sbarrier.arrive $0xFFFF;
	s2 =	simm.s32 @!p0 $0x1C06  }
0x36a: {  	[timem:s3], [sflag:s2] =	dma.local @!p0 [hbm:s0], s1  }
0x36b: {  	s0 =	simm.s32 @!p0 $0x6  }
0x36c: {  	_ =	swait.ge @!p0 [sflag:s0], s1  }
0x36d: {  	s1 =	ssub.s32 @!p0 $0x0, s1;
	[sflag:s0] =	ssyncset.done @!p0 $0x0  }
0x36e: {  	[sflag:s0] =	ssyncadd.s32 @!p0 s1  }
0x36f: {  	[bflag:$0x3] =	sbarrier.arrive $0xFFFF  }
0x370: {  	_ =	shalt  }

</sc_bundles>
